<compile_context>
chip_gen: v7x
topology: tpu7x:2x2x1
jax: 0.10.2.dev20260603
libtpu: 0.0.44.dev20260713+nightly
codegen_flags: <defaults>
</compile_context>

<pallas_src>
import functools

import jax
import jax.numpy as jnp
from jax import lax
from jax.experimental import pallas as pl
from jax.experimental.pallas import tpu as pltpu
from jax.experimental.pallas import tpu_sc as plsc

EMBED_DIM = 128
CHW = 128
DRING = 5
LAG = 3


@functools.cache
def _build(batch, hist, nw, nc):
    mesh = plsc.VectorSubcoreMesh(core_axis_name="c", subcore_axis_name="s")
    nch = hist
    rounds = nch // DRING
    assert rounds * DRING == nch and batch % (nw * CHW) == 0

    @functools.partial(
        pl.kernel,
        out_type=jax.ShapeDtypeStruct((hist, batch, EMBED_DIM), jnp.float32),
        mesh=mesh,
        compiler_params=pltpu.CompilerParams(skip_device_barrier=True),
        scratch_types=[
            pltpu.VMEM((nch, CHW), jnp.int32),
            pltpu.VMEM((DRING, CHW, EMBED_DIM), jnp.float32),
            pltpu.SemaphoreType.DMA((DRING,)),
            pltpu.SemaphoreType.DMA((DRING,)),
        ],
    )
    def gather_kernel(table_hbm, seqt_hbm, out_hbm, idx_v, bufs, semg, semw):
        wid = lax.axis_index("s") * nc + lax.axis_index("c")
        base = wid * CHW
        pltpu.sync_copy(seqt_hbm.at[:, pl.ds(base, CHW)], idx_v)

        def fire_g(t, b):
            pltpu.async_copy(table_hbm.at[idx_v.at[t]], bufs.at[b], semg.at[b])

        def drain_g(t, b):
            pltpu.make_async_copy(
                table_hbm.at[idx_v.at[t]], bufs.at[b], semg.at[b]).wait()

        def fire_w(u, su):
            pltpu.async_copy(
                bufs.at[su], out_hbm.at[u, pl.ds(base, CHW)], semw.at[su])

        def drain_w(u, su):
            pltpu.make_async_copy(
                bufs.at[su], out_hbm.at[u, pl.ds(base, CHW)], semw.at[su]).wait()

        for b in range(DRING):
            fire_g(b, b)
            if b >= LAG:
                u = b - LAG
                drain_g(u, u % DRING)
                fire_w(u, u % DRING)

        def round_body(r, carry):
            for b in range(DRING):
                t = r * DRING + b
                drain_w(t - DRING, b)
                fire_g(t, b)
                u = t - LAG
                su = (b - LAG) % DRING
                drain_g(u, su)
                fire_w(u, su)
            return carry

        lax.fori_loop(1, rounds, round_body, 0)

        for u in range(nch - LAG, nch):
            su = u % DRING
            drain_g(u, su)
            fire_w(u, su)
        for b in range(DRING):
            drain_w(nch - DRING + b, b)

    return gather_kernel


def kernel(sequence, table):
    batch, hist = sequence.shape
    mesh = plsc.VectorSubcoreMesh(core_axis_name="c", subcore_axis_name="s")
    nw = mesh.num_cores * mesh.num_subcores
    seqt = sequence.astype(jnp.int32).T
    out = _build(batch, hist, nw, mesh.num_cores)(table, seqt)
    return out.transpose(1, 0, 2)

# --- scband reference (transcript-rebuilt; emitter-appended) ---
"""Pipeline reference for scband-embeddings-layer-68324339744959 (READ-ONLY COPY).

The authoritative reference and input builder live on the scoring server;
editing this copy changes nothing except your own understanding.
"""

import jax, jax.numpy as jnp
import numpy as np

VOCAB = 100000
EMBED_DIM = 128
PAD_IDX = 0
BATCH = 4096
HIST_LEN = 50


def setup_inputs(seed: int = 0) -> dict:
    key = jax.random.key(seed)
    k_seq, k_tab = jax.random.split(key)
    sequence = jax.random.randint(k_seq, (BATCH, HIST_LEN), 0, VOCAB, dtype=jnp.int64 if jax.config.jax_enable_x64 else jnp.int32)
    table = jax.random.normal(k_tab, (VOCAB, EMBED_DIM), dtype=jnp.float32)
    # nn.Embedding with padding_idx initialized from a matrix keeps the row as-is,
    # but conventionally the pad row is zero; zero it to match typical pretrained matrices.
    table = table.at[PAD_IDX].set(0.0)
    return {"sequence": sequence, "table": table}


def reference(sequence, table):
    # EmbeddingsLayer.forward: word_embed(sequence) -> gather rows of the
    # (frozen) embedding matrix. padding_idx does not change the forward math.
    return jnp.take(table, sequence, axis=0)

if __name__ == "__main__":
    import jax
    _d = setup_inputs()
    print(jax.jit(kernel)(*tuple(_d.values())))

</pallas_src>

<mosaic_0001>
#map = affine_map<(d0, d1) -> (0, 0)>
#map1 = affine_map<(d0, d1) -> (0, 0, 0)>
module attributes {stable_mosaic.version = 14 : i64} {
  func.func @gather_kernel(%arg0: i32, %arg1: i32, %arg2: memref<100000x128xf32, #tpu.memory_space<hbm>>, %arg3: memref<50x4096xi32, #tpu.memory_space<hbm>>, %arg4: memref<50x4096x128xf32, #tpu.memory_space<hbm>>, %arg5: memref<50x128xi32, #tpu.memory_space<vmem>>, %arg6: memref<5x128x128xf32, #tpu.memory_space<vmem>>, %arg7: memref<5x!tpu.dma_semaphore, #tpu.memory_space<semaphore_mem>>, %arg8: memref<5x!tpu.dma_semaphore, #tpu.memory_space<semaphore_mem>>) attributes {dimension_semantics = [#tpu.dimension_semantics<core_parallel>, #tpu.dimension_semantics<subcore_parallel>], iteration_bounds = array<i64: 2, 16>, scalar_prefetch = 0 : i64, scratch_operands = 4 : i64, tpu.core_type = #tpu.core_type<sc_vector_subcore>, window_params = [{transform_indices = #map}, {transform_indices = #map}, {transform_indices = #map1}]} {
    %mul3A = arith.constant 2 : i32
    %mul3A_0 = arith.muli %arg1, %mul3A : i32
    %add3A = arith.addi %mul3A_0, %arg0 : i32
    %mul3A_1 = arith.constant 128 : i32
    %mul3A_2 = arith.muli %add3A, %mul3A_1 : i32
    "tpu.region"() ({
      %run_scoped3A = tpu.sem_alloc : memref<!tpu.dma_semaphore, #tpu.memory_space<semaphore_mem>>
      %dma_start3A_346 = arith.constant 0 : i32
      %dma_start3A_347 = tpu.memref_slice %arg3[%dma_start3A_346, %mul3A_2] : memref<50x4096xi32, #tpu.memory_space<hbm>> -> memref<50x128xi32, #tpu.memory_space<hbm>>
      %dma_start3A_348 = arith.constant 0 : i32
      %dma_start3A_349 = tpu.memref_slice %arg3[%dma_start3A_348, %mul3A_2] : memref<50x4096xi32, #tpu.memory_space<hbm>> -> memref<50x128xi32, #tpu.memory_space<hbm>>
      tpu.enqueue_dma source(%dma_start3A_349 : memref<50x128xi32, #tpu.memory_space<hbm>>) target(%arg5 : memref<50x128xi32, #tpu.memory_space<vmem>>) target_semaphore(%run_scoped3A : memref<!tpu.dma_semaphore, #tpu.memory_space<semaphore_mem>>)
      %dma_wait3A_350 = arith.constant 0 : i32
      %dma_wait3A_351 = tpu.memref_slice %arg3[%dma_wait3A_350, %mul3A_2] : memref<50x4096xi32, #tpu.memory_space<hbm>> -> memref<50x128xi32, #tpu.memory_space<hbm>>
      %dma_wait3A_352 = arith.constant 0 : i32
      %dma_wait3A_353 = tpu.memref_slice %arg3[%dma_wait3A_352, %mul3A_2] : memref<50x4096xi32, #tpu.memory_space<hbm>> -> memref<50x128xi32, #tpu.memory_space<hbm>>
      tpu.wait_dma2 semaphore(%run_scoped3A : memref<!tpu.dma_semaphore, #tpu.memory_space<semaphore_mem>>) src(%dma_wait3A_353 : memref<50x128xi32, #tpu.memory_space<hbm>>) dst(%arg5 : memref<50x128xi32, #tpu.memory_space<vmem>>)
      tpu.yield
    }) : () -> ()
    %dma_start3A = arith.constant 0 : i32
    %dma_start3A_3 = arith.constant 0 : i32
    %dma_start3A_4 = arith.constant 0 : i32
    %dma_start3A_5 = arith.constant 0 : i32
    %dma_start3A_6 = arith.constant 0 : i32
    %dma_start3A_7 = tpu.memref_slice %arg6[%dma_start3A_3, %dma_start3A_5, %dma_start3A_6] : memref<5x128x128xf32, #tpu.memory_space<vmem>> -> memref<1x128x128xf32, #tpu.memory_space<vmem>>
    %dma_start3A_8 = tpu.memref_squeeze %dma_start3A_7 : memref<1x128x128xf32, #tpu.memory_space<vmem>> -> memref<128x128xf32, #tpu.memory_space<vmem>>
    %dma_start3A_9 = arith.constant 0 : i32
    %dma_start3A_10 = tpu.memref_slice %arg5[%dma_start3A, %dma_start3A_9] : memref<50x128xi32, #tpu.memory_space<vmem>> -> memref<1x128xi32, #tpu.memory_space<vmem>>
    %dma_start3A_11 = tpu.memref_squeeze %dma_start3A_10 : memref<1x128xi32, #tpu.memory_space<vmem>> -> memref<128xi32, #tpu.memory_space<vmem>>
    %dma_start3A_12 = arith.constant 0 : i32
    %dma_start3A_13 = arith.constant 0 : i32
    %dma_start3A_14 = tpu.memref_slice %arg2[%dma_start3A_12, %dma_start3A_13] : memref<100000x128xf32, #tpu.memory_space<hbm>> -> memref<100000x128xf32, #tpu.memory_space<hbm>>
    %dma_start3A_15 = tpu.memref_slice %arg7[%dma_start3A_4] : memref<5x!tpu.dma_semaphore, #tpu.memory_space<semaphore_mem>> -> memref<1x!tpu.dma_semaphore, #tpu.memory_space<semaphore_mem>>
    %dma_start3A_16 = tpu.memref_squeeze %dma_start3A_15 : memref<1x!tpu.dma_semaphore, #tpu.memory_space<semaphore_mem>> -> memref<!tpu.dma_semaphore, #tpu.memory_space<semaphore_mem>>
    tpu.enqueue_indirect_dma source(%dma_start3A_14 : memref<100000x128xf32, #tpu.memory_space<hbm>>) target(%dma_start3A_8 : memref<128x128xf32, #tpu.memory_space<vmem>>) offsets(%dma_start3A_11 : memref<128xi32, #tpu.memory_space<vmem>>) semaphore(%dma_start3A_16 : memref<!tpu.dma_semaphore, #tpu.memory_space<semaphore_mem>>)
    %dma_start3A_17 = arith.constant 1 : i32
    %dma_start3A_18 = arith.constant 1 : i32
    %dma_start3A_19 = arith.constant 1 : i32
    %dma_start3A_20 = arith.constant 0 : i32
    %dma_start3A_21 = arith.constant 0 : i32
    %dma_start3A_22 = tpu.memref_slice %arg6[%dma_start3A_18, %dma_start3A_20, %dma_start3A_21] : memref<5x128x128xf32, #tpu.memory_space<vmem>> -> memref<1x128x128xf32, #tpu.memory_space<vmem>>
    %dma_start3A_23 = tpu.memref_squeeze %dma_start3A_22 : memref<1x128x128xf32, #tpu.memory_space<vmem>> -> memref<128x128xf32, #tpu.memory_space<vmem>>
    %dma_start3A_24 = arith.constant 0 : i32
    %dma_start3A_25 = tpu.memref_slice %arg5[%dma_start3A_17, %dma_start3A_24] : memref<50x128xi32, #tpu.memory_space<vmem>> -> memref<1x128xi32, #tpu.memory_space<vmem>>
    %dma_start3A_26 = tpu.memref_squeeze %dma_start3A_25 : memref<1x128xi32, #tpu.memory_space<vmem>> -> memref<128xi32, #tpu.memory_space<vmem>>
    %dma_start3A_27 = arith.constant 0 : i32
    %dma_start3A_28 = arith.constant 0 : i32
    %dma_start3A_29 = tpu.memref_slice %arg2[%dma_start3A_27, %dma_start3A_28] : memref<100000x128xf32, #tpu.memory_space<hbm>> -> memref<100000x128xf32, #tpu.memory_space<hbm>>
    %dma_start3A_30 = tpu.memref_slice %arg7[%dma_start3A_19] : memref<5x!tpu.dma_semaphore, #tpu.memory_space<semaphore_mem>> -> memref<1x!tpu.dma_semaphore, #tpu.memory_space<semaphore_mem>>
    %dma_start3A_31 = tpu.memref_squeeze %dma_start3A_30 : memref<1x!tpu.dma_semaphore, #tpu.memory_space<semaphore_mem>> -> memref<!tpu.dma_semaphore, #tpu.memory_space<semaphore_mem>>
    tpu.enqueue_indirect_dma source(%dma_start3A_29 : memref<100000x128xf32, #tpu.memory_space<hbm>>) target(%dma_start3A_23 : memref<128x128xf32, #tpu.memory_space<vmem>>) offsets(%dma_start3A_26 : memref<128xi32, #tpu.memory_space<vmem>>) semaphore(%dma_start3A_31 : memref<!tpu.dma_semaphore, #tpu.memory_space<semaphore_mem>>)
    %dma_start3A_32 = arith.constant 2 : i32
    %dma_start3A_33 = arith.constant 2 : i32
    %dma_start3A_34 = arith.constant 2 : i32
    %dma_start3A_35 = arith.constant 0 : i32
    %dma_start3A_36 = arith.constant 0 : i32
    %dma_start3A_37 = tpu.memref_slice %arg6[%dma_start3A_33, %dma_start3A_35, %dma_start3A_36] : memref<5x128x128xf32, #tpu.memory_space<vmem>> -> memref<1x128x128xf32, #tpu.memory_space<vmem>>
    %dma_start3A_38 = tpu.memref_squeeze %dma_start3A_37 : memref<1x128x128xf32, #tpu.memory_space<vmem>> -> memref<128x128xf32, #tpu.memory_space<vmem>>
    %dma_start3A_39 = arith.constant 0 : i32
    %dma_start3A_40 = tpu.memref_slice %arg5[%dma_start3A_32, %dma_start3A_39] : memref<50x128xi32, #tpu.memory_space<vmem>> -> memref<1x128xi32, #tpu.memory_space<vmem>>
    %dma_start3A_41 = tpu.memref_squeeze %dma_start3A_40 : memref<1x128xi32, #tpu.memory_space<vmem>> -> memref<128xi32, #tpu.memory_space<vmem>>
    %dma_start3A_42 = arith.constant 0 : i32
    %dma_start3A_43 = arith.constant 0 : i32
    %dma_start3A_44 = tpu.memref_slice %arg2[%dma_start3A_42, %dma_start3A_43] : memref<100000x128xf32, #tpu.memory_space<hbm>> -> memref<100000x128xf32, #tpu.memory_space<hbm>>
    %dma_start3A_45 = tpu.memref_slice %arg7[%dma_start3A_34] : memref<5x!tpu.dma_semaphore, #tpu.memory_space<semaphore_mem>> -> memref<1x!tpu.dma_semaphore, #tpu.memory_space<semaphore_mem>>
    %dma_start3A_46 = tpu.memref_squeeze %dma_start3A_45 : memref<1x!tpu.dma_semaphore, #tpu.memory_space<semaphore_mem>> -> memref<!tpu.dma_semaphore, #tpu.memory_space<semaphore_mem>>
    tpu.enqueue_indirect_dma source(%dma_start3A_44 : memref<100000x128xf32, #tpu.memory_space<hbm>>) target(%dma_start3A_38 : memref<128x128xf32, #tpu.memory_space<vmem>>) offsets(%dma_start3A_41 : memref<128xi32, #tpu.memory_space<vmem>>) semaphore(%dma_start3A_46 : memref<!tpu.dma_semaphore, #tpu.memory_space<semaphore_mem>>)
    %dma_start3A_47 = arith.constant 3 : i32
    %dma_start3A_48 = arith.constant 3 : i32
    %dma_start3A_49 = arith.constant 3 : i32
    %dma_start3A_50 = arith.constant 0 : i32
    %dma_start3A_51 = arith.constant 0 : i32
    %dma_start3A_52 = tpu.memref_slice %arg6[%dma_start3A_48, %dma_start3A_50, %dma_start3A_51] : memref<5x128x128xf32, #tpu.memory_space<vmem>> -> memref<1x128x128xf32, #tpu.memory_space<vmem>>
    %dma_start3A_53 = tpu.memref_squeeze %dma_start3A_52 : memref<1x128x128xf32, #tpu.memory_space<vmem>> -> memref<128x128xf32, #tpu.memory_space<vmem>>
    %dma_start3A_54 = arith.constant 0 : i32
    %dma_start3A_55 = tpu.memref_slice %arg5[%dma_start3A_47, %dma_start3A_54] : memref<50x128xi32, #tpu.memory_space<vmem>> -> memref<1x128xi32, #tpu.memory_space<vmem>>
    %dma_start3A_56 = tpu.memref_squeeze %dma_start3A_55 : memref<1x128xi32, #tpu.memory_space<vmem>> -> memref<128xi32, #tpu.memory_space<vmem>>
    %dma_start3A_57 = arith.constant 0 : i32
    %dma_start3A_58 = arith.constant 0 : i32
    %dma_start3A_59 = tpu.memref_slice %arg2[%dma_start3A_57, %dma_start3A_58] : memref<100000x128xf32, #tpu.memory_space<hbm>> -> memref<100000x128xf32, #tpu.memory_space<hbm>>
    %dma_start3A_60 = tpu.memref_slice %arg7[%dma_start3A_49] : memref<5x!tpu.dma_semaphore, #tpu.memory_space<semaphore_mem>> -> memref<1x!tpu.dma_semaphore, #tpu.memory_space<semaphore_mem>>
    %dma_start3A_61 = tpu.memref_squeeze %dma_start3A_60 : memref<1x!tpu.dma_semaphore, #tpu.memory_space<semaphore_mem>> -> memref<!tpu.dma_semaphore, #tpu.memory_space<semaphore_mem>>
    tpu.enqueue_indirect_dma source(%dma_start3A_59 : memref<100000x128xf32, #tpu.memory_space<hbm>>) target(%dma_start3A_53 : memref<128x128xf32, #tpu.memory_space<vmem>>) offsets(%dma_start3A_56 : memref<128xi32, #tpu.memory_space<vmem>>) semaphore(%dma_start3A_61 : memref<!tpu.dma_semaphore, #tpu.memory_space<semaphore_mem>>)
    %dma_wait3A = arith.constant 0 : i32
    %dma_wait3A_62 = arith.constant 0 : i32
    %dma_wait3A_63 = arith.constant 0 : i32
    %dma_wait3A_64 = arith.constant 0 : i32
    %dma_wait3A_65 = arith.constant 0 : i32
    %dma_wait3A_66 = tpu.memref_slice %arg6[%dma_wait3A_62, %dma_wait3A_64, %dma_wait3A_65] : memref<5x128x128xf32, #tpu.memory_space<vmem>> -> memref<1x128x128xf32, #tpu.memory_space<vmem>>
    %dma_wait3A_67 = tpu.memref_squeeze %dma_wait3A_66 : memref<1x128x128xf32, #tpu.memory_space<vmem>> -> memref<128x128xf32, #tpu.memory_space<vmem>>
    %dma_wait3A_68 = arith.constant 0 : i32
    %dma_wait3A_69 = tpu.memref_slice %arg5[%dma_wait3A, %dma_wait3A_68] : memref<50x128xi32, #tpu.memory_space<vmem>> -> memref<1x128xi32, #tpu.memory_space<vmem>>
    %dma_wait3A_70 = tpu.memref_squeeze %dma_wait3A_69 : memref<1x128xi32, #tpu.memory_space<vmem>> -> memref<128xi32, #tpu.memory_space<vmem>>
    %dma_wait3A_71 = arith.constant 0 : i32
    %dma_wait3A_72 = arith.constant 0 : i32
    %dma_wait3A_73 = tpu.memref_slice %arg2[%dma_wait3A_71, %dma_wait3A_72] : memref<100000x128xf32, #tpu.memory_space<hbm>> -> memref<100000x128xf32, #tpu.memory_space<hbm>>
    %dma_wait3A_74 = tpu.memref_slice %arg7[%dma_wait3A_63] : memref<5x!tpu.dma_semaphore, #tpu.memory_space<semaphore_mem>> -> memref<1x!tpu.dma_semaphore, #tpu.memory_space<semaphore_mem>>
    %dma_wait3A_75 = tpu.memref_squeeze %dma_wait3A_74 : memref<1x!tpu.dma_semaphore, #tpu.memory_space<semaphore_mem>> -> memref<!tpu.dma_semaphore, #tpu.memory_space<semaphore_mem>>
    tpu.wait_indirect_dma semaphore(%dma_wait3A_75 : memref<!tpu.dma_semaphore, #tpu.memory_space<semaphore_mem>>) src(%dma_wait3A_73 : memref<100000x128xf32, #tpu.memory_space<hbm>>) dst(%dma_wait3A_67 : memref<128x128xf32, #tpu.memory_space<vmem>>)
    %dma_start3A_76 = arith.constant 0 : i32
    %dma_start3A_77 = arith.constant 0 : i32
    %dma_start3A_78 = arith.constant 0 : i32
    %dma_start3A_79 = arith.constant 0 : i32
    %dma_start3A_80 = arith.constant 0 : i32
    %dma_start3A_81 = tpu.memref_slice %arg6[%dma_start3A_76, %dma_start3A_79, %dma_start3A_80] : memref<5x128x128xf32, #tpu.memory_space<vmem>> -> memref<1x128x128xf32, #tpu.memory_space<vmem>>
    %dma_start3A_82 = tpu.memref_squeeze %dma_start3A_81 : memref<1x128x128xf32, #tpu.memory_space<vmem>> -> memref<128x128xf32, #tpu.memory_space<vmem>>
    %dma_start3A_83 = arith.constant 0 : i32
    %dma_start3A_84 = tpu.memref_slice %arg4[%dma_start3A_77, %mul3A_2, %dma_start3A_83] : memref<50x4096x128xf32, #tpu.memory_space<hbm>> -> memref<1x128x128xf32, #tpu.memory_space<hbm>>
    %dma_start3A_85 = tpu.memref_squeeze %dma_start3A_84 : memref<1x128x128xf32, #tpu.memory_space<hbm>> -> memref<128x128xf32, #tpu.memory_space<hbm>>
    %dma_start3A_86 = tpu.memref_slice %arg8[%dma_start3A_78] : memref<5x!tpu.dma_semaphore, #tpu.memory_space<semaphore_mem>> -> memref<1x!tpu.dma_semaphore, #tpu.memory_space<semaphore_mem>>
    %dma_start3A_87 = tpu.memref_squeeze %dma_start3A_86 : memref<1x!tpu.dma_semaphore, #tpu.memory_space<semaphore_mem>> -> memref<!tpu.dma_semaphore, #tpu.memory_space<semaphore_mem>>
    %dma_start3A_88 = arith.constant 0 : i32
    %dma_start3A_89 = tpu.memref_slice %arg4[%dma_start3A_77, %mul3A_2, %dma_start3A_88] : memref<50x4096x128xf32, #tpu.memory_space<hbm>> -> memref<1x128x128xf32, #tpu.memory_space<hbm>>
    %dma_start3A_90 = tpu.memref_squeeze %dma_start3A_89 : memref<1x128x128xf32, #tpu.memory_space<hbm>> -> memref<128x128xf32, #tpu.memory_space<hbm>>
    %dma_start3A_91 = arith.constant 0 : i32
    %dma_start3A_92 = arith.constant 0 : i32
    %dma_start3A_93 = tpu.memref_slice %arg6[%dma_start3A_76, %dma_start3A_91, %dma_start3A_92] : memref<5x128x128xf32, #tpu.memory_space<vmem>> -> memref<1x128x128xf32, #tpu.memory_space<vmem>>
    %dma_start3A_94 = tpu.memref_squeeze %dma_start3A_93 : memref<1x128x128xf32, #tpu.memory_space<vmem>> -> memref<128x128xf32, #tpu.memory_space<vmem>>
    tpu.enqueue_dma source(%dma_start3A_94 : memref<128x128xf32, #tpu.memory_space<vmem>>) target(%dma_start3A_90 : memref<128x128xf32, #tpu.memory_space<hbm>>) target_semaphore(%dma_start3A_87 : memref<!tpu.dma_semaphore, #tpu.memory_space<semaphore_mem>>)
    %dma_start3A_95 = arith.constant 4 : i32
    %dma_start3A_96 = arith.constant 4 : i32
    %dma_start3A_97 = arith.constant 4 : i32
    %dma_start3A_98 = arith.constant 0 : i32
    %dma_start3A_99 = arith.constant 0 : i32
    %dma_start3A_100 = tpu.memref_slice %arg6[%dma_start3A_96, %dma_start3A_98, %dma_start3A_99] : memref<5x128x128xf32, #tpu.memory_space<vmem>> -> memref<1x128x128xf32, #tpu.memory_space<vmem>>
    %dma_start3A_101 = tpu.memref_squeeze %dma_start3A_100 : memref<1x128x128xf32, #tpu.memory_space<vmem>> -> memref<128x128xf32, #tpu.memory_space<vmem>>
    %dma_start3A_102 = arith.constant 0 : i32
    %dma_start3A_103 = tpu.memref_slice %arg5[%dma_start3A_95, %dma_start3A_102] : memref<50x128xi32, #tpu.memory_space<vmem>> -> memref<1x128xi32, #tpu.memory_space<vmem>>
    %dma_start3A_104 = tpu.memref_squeeze %dma_start3A_103 : memref<1x128xi32, #tpu.memory_space<vmem>> -> memref<128xi32, #tpu.memory_space<vmem>>
    %dma_start3A_105 = arith.constant 0 : i32
    %dma_start3A_106 = arith.constant 0 : i32
    %dma_start3A_107 = tpu.memref_slice %arg2[%dma_start3A_105, %dma_start3A_106] : memref<100000x128xf32, #tpu.memory_space<hbm>> -> memref<100000x128xf32, #tpu.memory_space<hbm>>
    %dma_start3A_108 = tpu.memref_slice %arg7[%dma_start3A_97] : memref<5x!tpu.dma_semaphore, #tpu.memory_space<semaphore_mem>> -> memref<1x!tpu.dma_semaphore, #tpu.memory_space<semaphore_mem>>
    %dma_start3A_109 = tpu.memref_squeeze %dma_start3A_108 : memref<1x!tpu.dma_semaphore, #tpu.memory_space<semaphore_mem>> -> memref<!tpu.dma_semaphore, #tpu.memory_space<semaphore_mem>>
    tpu.enqueue_indirect_dma source(%dma_start3A_107 : memref<100000x128xf32, #tpu.memory_space<hbm>>) target(%dma_start3A_101 : memref<128x128xf32, #tpu.memory_space<vmem>>) offsets(%dma_start3A_104 : memref<128xi32, #tpu.memory_space<vmem>>) semaphore(%dma_start3A_109 : memref<!tpu.dma_semaphore, #tpu.memory_space<semaphore_mem>>)
    %dma_wait3A_110 = arith.constant 1 : i32
    %dma_wait3A_111 = arith.constant 1 : i32
    %dma_wait3A_112 = arith.constant 1 : i32
    %dma_wait3A_113 = arith.constant 0 : i32
    %dma_wait3A_114 = arith.constant 0 : i32
    %dma_wait3A_115 = tpu.memref_slice %arg6[%dma_wait3A_111, %dma_wait3A_113, %dma_wait3A_114] : memref<5x128x128xf32, #tpu.memory_space<vmem>> -> memref<1x128x128xf32, #tpu.memory_space<vmem>>
    %dma_wait3A_116 = tpu.memref_squeeze %dma_wait3A_115 : memref<1x128x128xf32, #tpu.memory_space<vmem>> -> memref<128x128xf32, #tpu.memory_space<vmem>>
    %dma_wait3A_117 = arith.constant 0 : i32
    %dma_wait3A_118 = tpu.memref_slice %arg5[%dma_wait3A_110, %dma_wait3A_117] : memref<50x128xi32, #tpu.memory_space<vmem>> -> memref<1x128xi32, #tpu.memory_space<vmem>>
    %dma_wait3A_119 = tpu.memref_squeeze %dma_wait3A_118 : memref<1x128xi32, #tpu.memory_space<vmem>> -> memref<128xi32, #tpu.memory_space<vmem>>
    %dma_wait3A_120 = arith.constant 0 : i32
    %dma_wait3A_121 = arith.constant 0 : i32
    %dma_wait3A_122 = tpu.memref_slice %arg2[%dma_wait3A_120, %dma_wait3A_121] : memref<100000x128xf32, #tpu.memory_space<hbm>> -> memref<100000x128xf32, #tpu.memory_space<hbm>>
    %dma_wait3A_123 = tpu.memref_slice %arg7[%dma_wait3A_112] : memref<5x!tpu.dma_semaphore, #tpu.memory_space<semaphore_mem>> -> memref<1x!tpu.dma_semaphore, #tpu.memory_space<semaphore_mem>>
    %dma_wait3A_124 = tpu.memref_squeeze %dma_wait3A_123 : memref<1x!tpu.dma_semaphore, #tpu.memory_space<semaphore_mem>> -> memref<!tpu.dma_semaphore, #tpu.memory_space<semaphore_mem>>
    tpu.wait_indirect_dma semaphore(%dma_wait3A_124 : memref<!tpu.dma_semaphore, #tpu.memory_space<semaphore_mem>>) src(%dma_wait3A_122 : memref<100000x128xf32, #tpu.memory_space<hbm>>) dst(%dma_wait3A_116 : memref<128x128xf32, #tpu.memory_space<vmem>>)
    %dma_start3A_125 = arith.constant 1 : i32
    %dma_start3A_126 = arith.constant 1 : i32
    %dma_start3A_127 = arith.constant 1 : i32
    %dma_start3A_128 = arith.constant 0 : i32
    %dma_start3A_129 = arith.constant 0 : i32
    %dma_start3A_130 = tpu.memref_slice %arg6[%dma_start3A_125, %dma_start3A_128, %dma_start3A_129] : memref<5x128x128xf32, #tpu.memory_space<vmem>> -> memref<1x128x128xf32, #tpu.memory_space<vmem>>
    %dma_start3A_131 = tpu.memref_squeeze %dma_start3A_130 : memref<1x128x128xf32, #tpu.memory_space<vmem>> -> memref<128x128xf32, #tpu.memory_space<vmem>>
    %dma_start3A_132 = arith.constant 0 : i32
    %dma_start3A_133 = tpu.memref_slice %arg4[%dma_start3A_126, %mul3A_2, %dma_start3A_132] : memref<50x4096x128xf32, #tpu.memory_space<hbm>> -> memref<1x128x128xf32, #tpu.memory_space<hbm>>
    %dma_start3A_134 = tpu.memref_squeeze %dma_start3A_133 : memref<1x128x128xf32, #tpu.memory_space<hbm>> -> memref<128x128xf32, #tpu.memory_space<hbm>>
    %dma_start3A_135 = tpu.memref_slice %arg8[%dma_start3A_127] : memref<5x!tpu.dma_semaphore, #tpu.memory_space<semaphore_mem>> -> memref<1x!tpu.dma_semaphore, #tpu.memory_space<semaphore_mem>>
    %dma_start3A_136 = tpu.memref_squeeze %dma_start3A_135 : memref<1x!tpu.dma_semaphore, #tpu.memory_space<semaphore_mem>> -> memref<!tpu.dma_semaphore, #tpu.memory_space<semaphore_mem>>
    %dma_start3A_137 = arith.constant 0 : i32
    %dma_start3A_138 = tpu.memref_slice %arg4[%dma_start3A_126, %mul3A_2, %dma_start3A_137] : memref<50x4096x128xf32, #tpu.memory_space<hbm>> -> memref<1x128x128xf32, #tpu.memory_space<hbm>>
    %dma_start3A_139 = tpu.memref_squeeze %dma_start3A_138 : memref<1x128x128xf32, #tpu.memory_space<hbm>> -> memref<128x128xf32, #tpu.memory_space<hbm>>
    %dma_start3A_140 = arith.constant 0 : i32
    %dma_start3A_141 = arith.constant 0 : i32
    %dma_start3A_142 = tpu.memref_slice %arg6[%dma_start3A_125, %dma_start3A_140, %dma_start3A_141] : memref<5x128x128xf32, #tpu.memory_space<vmem>> -> memref<1x128x128xf32, #tpu.memory_space<vmem>>
    %dma_start3A_143 = tpu.memref_squeeze %dma_start3A_142 : memref<1x128x128xf32, #tpu.memory_space<vmem>> -> memref<128x128xf32, #tpu.memory_space<vmem>>
    tpu.enqueue_dma source(%dma_start3A_143 : memref<128x128xf32, #tpu.memory_space<vmem>>) target(%dma_start3A_139 : memref<128x128xf32, #tpu.memory_space<hbm>>) target_semaphore(%dma_start3A_136 : memref<!tpu.dma_semaphore, #tpu.memory_space<semaphore_mem>>)
    %scan3A = arith.constant 0 : i32
    %scan3A_144 = arith.constant 1 : i32
    %scan3A_145 = arith.constant 9 : i32
    %scan3A_146 = arith.addi %scan3A_144, %scan3A_145 : i32
    %scan3A_147 = arith.constant 1 : i32
    scf.for %scan3A_346 = %scan3A_144 to %scan3A_146 step %scan3A_147  : i32 {
      %mul3A_347 = arith.constant 5 : i32
      %mul3A_348 = arith.muli %scan3A_346, %mul3A_347 : i32
      %add3A_349 = arith.constant 0 : i32
      %add3A_350 = arith.addi %mul3A_348, %add3A_349 : i32
      %sub3A = arith.constant 5 : i32
      %sub3A_351 = arith.subi %add3A_350, %sub3A : i32
      %dma_wait3A_352 = arith.constant 0 : i32
      %dma_wait3A_353 = arith.constant 0 : i32
      %dma_wait3A_354 = arith.constant 0 : i32
      %dma_wait3A_355 = arith.constant 0 : i32
      %dma_wait3A_356 = tpu.memref_slice %arg6[%dma_wait3A_352, %dma_wait3A_354, %dma_wait3A_355] : memref<5x128x128xf32, #tpu.memory_space<vmem>> -> memref<1x128x128xf32, #tpu.memory_space<vmem>>
      %dma_wait3A_357 = tpu.memref_squeeze %dma_wait3A_356 : memref<1x128x128xf32, #tpu.memory_space<vmem>> -> memref<128x128xf32, #tpu.memory_space<vmem>>
      %dma_wait3A_358 = arith.constant 0 : i32
      %dma_wait3A_359 = tpu.memref_slice %arg4[%sub3A_351, %mul3A_2, %dma_wait3A_358] : memref<50x4096x128xf32, #tpu.memory_space<hbm>> -> memref<1x128x128xf32, #tpu.memory_space<hbm>>
      %dma_wait3A_360 = tpu.memref_squeeze %dma_wait3A_359 : memref<1x128x128xf32, #tpu.memory_space<hbm>> -> memref<128x128xf32, #tpu.memory_space<hbm>>
      %dma_wait3A_361 = tpu.memref_slice %arg8[%dma_wait3A_353] : memref<5x!tpu.dma_semaphore, #tpu.memory_space<semaphore_mem>> -> memref<1x!tpu.dma_semaphore, #tpu.memory_space<semaphore_mem>>
      %dma_wait3A_362 = tpu.memref_squeeze %dma_wait3A_361 : memref<1x!tpu.dma_semaphore, #tpu.memory_space<semaphore_mem>> -> memref<!tpu.dma_semaphore, #tpu.memory_space<semaphore_mem>>
      %dma_wait3A_363 = arith.constant 0 : i32
      %dma_wait3A_364 = tpu.memref_slice %arg4[%sub3A_351, %mul3A_2, %dma_wait3A_363] : memref<50x4096x128xf32, #tpu.memory_space<hbm>> -> memref<1x128x128xf32, #tpu.memory_space<hbm>>
      %dma_wait3A_365 = tpu.memref_squeeze %dma_wait3A_364 : memref<1x128x128xf32, #tpu.memory_space<hbm>> -> memref<128x128xf32, #tpu.memory_space<hbm>>
      %dma_wait3A_366 = arith.constant 0 : i32
      %dma_wait3A_367 = arith.constant 0 : i32
      %dma_wait3A_368 = tpu.memref_slice %arg6[%dma_wait3A_352, %dma_wait3A_366, %dma_wait3A_367] : memref<5x128x128xf32, #tpu.memory_space<vmem>> -> memref<1x128x128xf32, #tpu.memory_space<vmem>>
      %dma_wait3A_369 = tpu.memref_squeeze %dma_wait3A_368 : memref<1x128x128xf32, #tpu.memory_space<vmem>> -> memref<128x128xf32, #tpu.memory_space<vmem>>
      tpu.wait_dma2 semaphore(%dma_wait3A_362 : memref<!tpu.dma_semaphore, #tpu.memory_space<semaphore_mem>>) src(%dma_wait3A_369 : memref<128x128xf32, #tpu.memory_space<vmem>>) dst(%dma_wait3A_365 : memref<128x128xf32, #tpu.memory_space<hbm>>)
      %dma_start3A_370 = arith.constant 0 : i32
      %dma_start3A_371 = arith.constant 0 : i32
      %dma_start3A_372 = arith.constant 0 : i32
      %dma_start3A_373 = arith.constant 0 : i32
      %dma_start3A_374 = tpu.memref_slice %arg6[%dma_start3A_370, %dma_start3A_372, %dma_start3A_373] : memref<5x128x128xf32, #tpu.memory_space<vmem>> -> memref<1x128x128xf32, #tpu.memory_space<vmem>>
      %dma_start3A_375 = tpu.memref_squeeze %dma_start3A_374 : memref<1x128x128xf32, #tpu.memory_space<vmem>> -> memref<128x128xf32, #tpu.memory_space<vmem>>
      %dma_start3A_376 = arith.constant 0 : i32
      %dma_start3A_377 = tpu.memref_slice %arg5[%add3A_350, %dma_start3A_376] : memref<50x128xi32, #tpu.memory_space<vmem>> -> memref<1x128xi32, #tpu.memory_space<vmem>>
      %dma_start3A_378 = tpu.memref_squeeze %dma_start3A_377 : memref<1x128xi32, #tpu.memory_space<vmem>> -> memref<128xi32, #tpu.memory_space<vmem>>
      %dma_start3A_379 = arith.constant 0 : i32
      %dma_start3A_380 = arith.constant 0 : i32
      %dma_start3A_381 = tpu.memref_slice %arg2[%dma_start3A_379, %dma_start3A_380] : memref<100000x128xf32, #tpu.memory_space<hbm>> -> memref<100000x128xf32, #tpu.memory_space<hbm>>
      %dma_start3A_382 = tpu.memref_slice %arg7[%dma_start3A_371] : memref<5x!tpu.dma_semaphore, #tpu.memory_space<semaphore_mem>> -> memref<1x!tpu.dma_semaphore, #tpu.memory_space<semaphore_mem>>
      %dma_start3A_383 = tpu.memref_squeeze %dma_start3A_382 : memref<1x!tpu.dma_semaphore, #tpu.memory_space<semaphore_mem>> -> memref<!tpu.dma_semaphore, #tpu.memory_space<semaphore_mem>>
      tpu.enqueue_indirect_dma source(%dma_start3A_381 : memref<100000x128xf32, #tpu.memory_space<hbm>>) target(%dma_start3A_375 : memref<128x128xf32, #tpu.memory_space<vmem>>) offsets(%dma_start3A_378 : memref<128xi32, #tpu.memory_space<vmem>>) semaphore(%dma_start3A_383 : memref<!tpu.dma_semaphore, #tpu.memory_space<semaphore_mem>>)
      %sub3A_384 = arith.constant 3 : i32
      %sub3A_385 = arith.subi %add3A_350, %sub3A_384 : i32
      %dma_wait3A_386 = arith.constant 2 : i32
      %dma_wait3A_387 = arith.constant 2 : i32
      %dma_wait3A_388 = arith.constant 0 : i32
      %dma_wait3A_389 = arith.constant 0 : i32
      %dma_wait3A_390 = tpu.memref_slice %arg6[%dma_wait3A_386, %dma_wait3A_388, %dma_wait3A_389] : memref<5x128x128xf32, #tpu.memory_space<vmem>> -> memref<1x128x128xf32, #tpu.memory_space<vmem>>
      %dma_wait3A_391 = tpu.memref_squeeze %dma_wait3A_390 : memref<1x128x128xf32, #tpu.memory_space<vmem>> -> memref<128x128xf32, #tpu.memory_space<vmem>>
      %dma_wait3A_392 = arith.constant 0 : i32
      %dma_wait3A_393 = tpu.memref_slice %arg5[%sub3A_385, %dma_wait3A_392] : memref<50x128xi32, #tpu.memory_space<vmem>> -> memref<1x128xi32, #tpu.memory_space<vmem>>
      %dma_wait3A_394 = tpu.memref_squeeze %dma_wait3A_393 : memref<1x128xi32, #tpu.memory_space<vmem>> -> memref<128xi32, #tpu.memory_space<vmem>>
      %dma_wait3A_395 = arith.constant 0 : i32
      %dma_wait3A_396 = arith.constant 0 : i32
      %dma_wait3A_397 = tpu.memref_slice %arg2[%dma_wait3A_395, %dma_wait3A_396] : memref<100000x128xf32, #tpu.memory_space<hbm>> -> memref<100000x128xf32, #tpu.memory_space<hbm>>
      %dma_wait3A_398 = tpu.memref_slice %arg7[%dma_wait3A_387] : memref<5x!tpu.dma_semaphore, #tpu.memory_space<semaphore_mem>> -> memref<1x!tpu.dma_semaphore, #tpu.memory_space<semaphore_mem>>
      %dma_wait3A_399 = tpu.memref_squeeze %dma_wait3A_398 : memref<1x!tpu.dma_semaphore, #tpu.memory_space<semaphore_mem>> -> memref<!tpu.dma_semaphore, #tpu.memory_space<semaphore_mem>>
      tpu.wait_indirect_dma semaphore(%dma_wait3A_399 : memref<!tpu.dma_semaphore, #tpu.memory_space<semaphore_mem>>) src(%dma_wait3A_397 : memref<100000x128xf32, #tpu.memory_space<hbm>>) dst(%dma_wait3A_391 : memref<128x128xf32, #tpu.memory_space<vmem>>)
      %dma_start3A_400 = arith.constant 2 : i32
      %dma_start3A_401 = arith.constant 2 : i32
      %dma_start3A_402 = arith.constant 0 : i32
      %dma_start3A_403 = arith.constant 0 : i32
      %dma_start3A_404 = tpu.memref_slice %arg6[%dma_start3A_400, %dma_start3A_402, %dma_start3A_403] : memref<5x128x128xf32, #tpu.memory_space<vmem>> -> memref<1x128x128xf32, #tpu.memory_space<vmem>>
      %dma_start3A_405 = tpu.memref_squeeze %dma_start3A_404 : memref<1x128x128xf32, #tpu.memory_space<vmem>> -> memref<128x128xf32, #tpu.memory_space<vmem>>
      %dma_start3A_406 = arith.constant 0 : i32
      %dma_start3A_407 = tpu.memref_slice %arg4[%sub3A_385, %mul3A_2, %dma_start3A_406] : memref<50x4096x128xf32, #tpu.memory_space<hbm>> -> memref<1x128x128xf32, #tpu.memory_space<hbm>>
      %dma_start3A_408 = tpu.memref_squeeze %dma_start3A_407 : memref<1x128x128xf32, #tpu.memory_space<hbm>> -> memref<128x128xf32, #tpu.memory_space<hbm>>
      %dma_start3A_409 = tpu.memref_slice %arg8[%dma_start3A_401] : memref<5x!tpu.dma_semaphore, #tpu.memory_space<semaphore_mem>> -> memref<1x!tpu.dma_semaphore, #tpu.memory_space<semaphore_mem>>
      %dma_start3A_410 = tpu.memref_squeeze %dma_start3A_409 : memref<1x!tpu.dma_semaphore, #tpu.memory_space<semaphore_mem>> -> memref<!tpu.dma_semaphore, #tpu.memory_space<semaphore_mem>>
      %dma_start3A_411 = arith.constant 0 : i32
      %dma_start3A_412 = tpu.memref_slice %arg4[%sub3A_385, %mul3A_2, %dma_start3A_411] : memref<50x4096x128xf32, #tpu.memory_space<hbm>> -> memref<1x128x128xf32, #tpu.memory_space<hbm>>
      %dma_start3A_413 = tpu.memref_squeeze %dma_start3A_412 : memref<1x128x128xf32, #tpu.memory_space<hbm>> -> memref<128x128xf32, #tpu.memory_space<hbm>>
      %dma_start3A_414 = arith.constant 0 : i32
      %dma_start3A_415 = arith.constant 0 : i32
      %dma_start3A_416 = tpu.memref_slice %arg6[%dma_start3A_400, %dma_start3A_414, %dma_start3A_415] : memref<5x128x128xf32, #tpu.memory_space<vmem>> -> memref<1x128x128xf32, #tpu.memory_space<vmem>>
      %dma_start3A_417 = tpu.memref_squeeze %dma_start3A_416 : memref<1x128x128xf32, #tpu.memory_space<vmem>> -> memref<128x128xf32, #tpu.memory_space<vmem>>
      tpu.enqueue_dma source(%dma_start3A_417 : memref<128x128xf32, #tpu.memory_space<vmem>>) target(%dma_start3A_413 : memref<128x128xf32, #tpu.memory_space<hbm>>) target_semaphore(%dma_start3A_410 : memref<!tpu.dma_semaphore, #tpu.memory_space<semaphore_mem>>)
      %mul3A_418 = arith.constant 5 : i32
      %mul3A_419 = arith.muli %scan3A_346, %mul3A_418 : i32
      %add3A_420 = arith.constant 1 : i32
      %add3A_421 = arith.addi %mul3A_419, %add3A_420 : i32
      %sub3A_422 = arith.constant 5 : i32
      %sub3A_423 = arith.subi %add3A_421, %sub3A_422 : i32
      %dma_wait3A_424 = arith.constant 1 : i32
      %dma_wait3A_425 = arith.constant 1 : i32
      %dma_wait3A_426 = arith.constant 0 : i32
      %dma_wait3A_427 = arith.constant 0 : i32
      %dma_wait3A_428 = tpu.memref_slice %arg6[%dma_wait3A_424, %dma_wait3A_426, %dma_wait3A_427] : memref<5x128x128xf32, #tpu.memory_space<vmem>> -> memref<1x128x128xf32, #tpu.memory_space<vmem>>
      %dma_wait3A_429 = tpu.memref_squeeze %dma_wait3A_428 : memref<1x128x128xf32, #tpu.memory_space<vmem>> -> memref<128x128xf32, #tpu.memory_space<vmem>>
      %dma_wait3A_430 = arith.constant 0 : i32
      %dma_wait3A_431 = tpu.memref_slice %arg4[%sub3A_423, %mul3A_2, %dma_wait3A_430] : memref<50x4096x128xf32, #tpu.memory_space<hbm>> -> memref<1x128x128xf32, #tpu.memory_space<hbm>>
      %dma_wait3A_432 = tpu.memref_squeeze %dma_wait3A_431 : memref<1x128x128xf32, #tpu.memory_space<hbm>> -> memref<128x128xf32, #tpu.memory_space<hbm>>
      %dma_wait3A_433 = tpu.memref_slice %arg8[%dma_wait3A_425] : memref<5x!tpu.dma_semaphore, #tpu.memory_space<semaphore_mem>> -> memref<1x!tpu.dma_semaphore, #tpu.memory_space<semaphore_mem>>
      %dma_wait3A_434 = tpu.memref_squeeze %dma_wait3A_433 : memref<1x!tpu.dma_semaphore, #tpu.memory_space<semaphore_mem>> -> memref<!tpu.dma_semaphore, #tpu.memory_space<semaphore_mem>>
      %dma_wait3A_435 = arith.constant 0 : i32
      %dma_wait3A_436 = tpu.memref_slice %arg4[%sub3A_423, %mul3A_2, %dma_wait3A_435] : memref<50x4096x128xf32, #tpu.memory_space<hbm>> -> memref<1x128x128xf32, #tpu.memory_space<hbm>>
      %dma_wait3A_437 = tpu.memref_squeeze %dma_wait3A_436 : memref<1x128x128xf32, #tpu.memory_space<hbm>> -> memref<128x128xf32, #tpu.memory_space<hbm>>
      %dma_wait3A_438 = arith.constant 0 : i32
      %dma_wait3A_439 = arith.constant 0 : i32
      %dma_wait3A_440 = tpu.memref_slice %arg6[%dma_wait3A_424, %dma_wait3A_438, %dma_wait3A_439] : memref<5x128x128xf32, #tpu.memory_space<vmem>> -> memref<1x128x128xf32, #tpu.memory_space<vmem>>
      %dma_wait3A_441 = tpu.memref_squeeze %dma_wait3A_440 : memref<1x128x128xf32, #tpu.memory_space<vmem>> -> memref<128x128xf32, #tpu.memory_space<vmem>>
      tpu.wait_dma2 semaphore(%dma_wait3A_434 : memref<!tpu.dma_semaphore, #tpu.memory_space<semaphore_mem>>) src(%dma_wait3A_441 : memref<128x128xf32, #tpu.memory_space<vmem>>) dst(%dma_wait3A_437 : memref<128x128xf32, #tpu.memory_space<hbm>>)
      %dma_start3A_442 = arith.constant 1 : i32
      %dma_start3A_443 = arith.constant 1 : i32
      %dma_start3A_444 = arith.constant 0 : i32
      %dma_start3A_445 = arith.constant 0 : i32
      %dma_start3A_446 = tpu.memref_slice %arg6[%dma_start3A_442, %dma_start3A_444, %dma_start3A_445] : memref<5x128x128xf32, #tpu.memory_space<vmem>> -> memref<1x128x128xf32, #tpu.memory_space<vmem>>
      %dma_start3A_447 = tpu.memref_squeeze %dma_start3A_446 : memref<1x128x128xf32, #tpu.memory_space<vmem>> -> memref<128x128xf32, #tpu.memory_space<vmem>>
      %dma_start3A_448 = arith.constant 0 : i32
      %dma_start3A_449 = tpu.memref_slice %arg5[%add3A_421, %dma_start3A_448] : memref<50x128xi32, #tpu.memory_space<vmem>> -> memref<1x128xi32, #tpu.memory_space<vmem>>
      %dma_start3A_450 = tpu.memref_squeeze %dma_start3A_449 : memref<1x128xi32, #tpu.memory_space<vmem>> -> memref<128xi32, #tpu.memory_space<vmem>>
      %dma_start3A_451 = arith.constant 0 : i32
      %dma_start3A_452 = arith.constant 0 : i32
      %dma_start3A_453 = tpu.memref_slice %arg2[%dma_start3A_451, %dma_start3A_452] : memref<100000x128xf32, #tpu.memory_space<hbm>> -> memref<100000x128xf32, #tpu.memory_space<hbm>>
      %dma_start3A_454 = tpu.memref_slice %arg7[%dma_start3A_443] : memref<5x!tpu.dma_semaphore, #tpu.memory_space<semaphore_mem>> -> memref<1x!tpu.dma_semaphore, #tpu.memory_space<semaphore_mem>>
      %dma_start3A_455 = tpu.memref_squeeze %dma_start3A_454 : memref<1x!tpu.dma_semaphore, #tpu.memory_space<semaphore_mem>> -> memref<!tpu.dma_semaphore, #tpu.memory_space<semaphore_mem>>
      tpu.enqueue_indirect_dma source(%dma_start3A_453 : memref<100000x128xf32, #tpu.memory_space<hbm>>) target(%dma_start3A_447 : memref<128x128xf32, #tpu.memory_space<vmem>>) offsets(%dma_start3A_450 : memref<128xi32, #tpu.memory_space<vmem>>) semaphore(%dma_start3A_455 : memref<!tpu.dma_semaphore, #tpu.memory_space<semaphore_mem>>)
      %sub3A_456 = arith.constant 3 : i32
      %sub3A_457 = arith.subi %add3A_421, %sub3A_456 : i32
      %dma_wait3A_458 = arith.constant 3 : i32
      %dma_wait3A_459 = arith.constant 3 : i32
      %dma_wait3A_460 = arith.constant 0 : i32
      %dma_wait3A_461 = arith.constant 0 : i32
      %dma_wait3A_462 = tpu.memref_slice %arg6[%dma_wait3A_458, %dma_wait3A_460, %dma_wait3A_461] : memref<5x128x128xf32, #tpu.memory_space<vmem>> -> memref<1x128x128xf32, #tpu.memory_space<vmem>>
      %dma_wait3A_463 = tpu.memref_squeeze %dma_wait3A_462 : memref<1x128x128xf32, #tpu.memory_space<vmem>> -> memref<128x128xf32, #tpu.memory_space<vmem>>
      %dma_wait3A_464 = arith.constant 0 : i32
      %dma_wait3A_465 = tpu.memref_slice %arg5[%sub3A_457, %dma_wait3A_464] : memref<50x128xi32, #tpu.memory_space<vmem>> -> memref<1x128xi32, #tpu.memory_space<vmem>>
      %dma_wait3A_466 = tpu.memref_squeeze %dma_wait3A_465 : memref<1x128xi32, #tpu.memory_space<vmem>> -> memref<128xi32, #tpu.memory_space<vmem>>
      %dma_wait3A_467 = arith.constant 0 : i32
      %dma_wait3A_468 = arith.constant 0 : i32
      %dma_wait3A_469 = tpu.memref_slice %arg2[%dma_wait3A_467, %dma_wait3A_468] : memref<100000x128xf32, #tpu.memory_space<hbm>> -> memref<100000x128xf32, #tpu.memory_space<hbm>>
      %dma_wait3A_470 = tpu.memref_slice %arg7[%dma_wait3A_459] : memref<5x!tpu.dma_semaphore, #tpu.memory_space<semaphore_mem>> -> memref<1x!tpu.dma_semaphore, #tpu.memory_space<semaphore_mem>>
      %dma_wait3A_471 = tpu.memref_squeeze %dma_wait3A_470 : memref<1x!tpu.dma_semaphore, #tpu.memory_space<semaphore_mem>> -> memref<!tpu.dma_semaphore, #tpu.memory_space<semaphore_mem>>
      tpu.wait_indirect_dma semaphore(%dma_wait3A_471 : memref<!tpu.dma_semaphore, #tpu.memory_space<semaphore_mem>>) src(%dma_wait3A_469 : memref<100000x128xf32, #tpu.memory_space<hbm>>) dst(%dma_wait3A_463 : memref<128x128xf32, #tpu.memory_space<vmem>>)
      %dma_start3A_472 = arith.constant 3 : i32
      %dma_start3A_473 = arith.constant 3 : i32
      %dma_start3A_474 = arith.constant 0 : i32
      %dma_start3A_475 = arith.constant 0 : i32
      %dma_start3A_476 = tpu.memref_slice %arg6[%dma_start3A_472, %dma_start3A_474, %dma_start3A_475] : memref<5x128x128xf32, #tpu.memory_space<vmem>> -> memref<1x128x128xf32, #tpu.memory_space<vmem>>
      %dma_start3A_477 = tpu.memref_squeeze %dma_start3A_476 : memref<1x128x128xf32, #tpu.memory_space<vmem>> -> memref<128x128xf32, #tpu.memory_space<vmem>>
      %dma_start3A_478 = arith.constant 0 : i32
      %dma_start3A_479 = tpu.memref_slice %arg4[%sub3A_457, %mul3A_2, %dma_start3A_478] : memref<50x4096x128xf32, #tpu.memory_space<hbm>> -> memref<1x128x128xf32, #tpu.memory_space<hbm>>
      %dma_start3A_480 = tpu.memref_squeeze %dma_start3A_479 : memref<1x128x128xf32, #tpu.memory_space<hbm>> -> memref<128x128xf32, #tpu.memory_space<hbm>>
      %dma_start3A_481 = tpu.memref_slice %arg8[%dma_start3A_473] : memref<5x!tpu.dma_semaphore, #tpu.memory_space<semaphore_mem>> -> memref<1x!tpu.dma_semaphore, #tpu.memory_space<semaphore_mem>>
      %dma_start3A_482 = tpu.memref_squeeze %dma_start3A_481 : memref<1x!tpu.dma_semaphore, #tpu.memory_space<semaphore_mem>> -> memref<!tpu.dma_semaphore, #tpu.memory_space<semaphore_mem>>
      %dma_start3A_483 = arith.constant 0 : i32
      %dma_start3A_484 = tpu.memref_slice %arg4[%sub3A_457, %mul3A_2, %dma_start3A_483] : memref<50x4096x128xf32, #tpu.memory_space<hbm>> -> memref<1x128x128xf32, #tpu.memory_space<hbm>>
      %dma_start3A_485 = tpu.memref_squeeze %dma_start3A_484 : memref<1x128x128xf32, #tpu.memory_space<hbm>> -> memref<128x128xf32, #tpu.memory_space<hbm>>
      %dma_start3A_486 = arith.constant 0 : i32
      %dma_start3A_487 = arith.constant 0 : i32
      %dma_start3A_488 = tpu.memref_slice %arg6[%dma_start3A_472, %dma_start3A_486, %dma_start3A_487] : memref<5x128x128xf32, #tpu.memory_space<vmem>> -> memref<1x128x128xf32, #tpu.memory_space<vmem>>
      %dma_start3A_489 = tpu.memref_squeeze %dma_start3A_488 : memref<1x128x128xf32, #tpu.memory_space<vmem>> -> memref<128x128xf32, #tpu.memory_space<vmem>>
      tpu.enqueue_dma source(%dma_start3A_489 : memref<128x128xf32, #tpu.memory_space<vmem>>) target(%dma_start3A_485 : memref<128x128xf32, #tpu.memory_space<hbm>>) target_semaphore(%dma_start3A_482 : memref<!tpu.dma_semaphore, #tpu.memory_space<semaphore_mem>>)
      %mul3A_490 = arith.constant 5 : i32
      %mul3A_491 = arith.muli %scan3A_346, %mul3A_490 : i32
      %add3A_492 = arith.constant 2 : i32
      %add3A_493 = arith.addi %mul3A_491, %add3A_492 : i32
      %sub3A_494 = arith.constant 5 : i32
      %sub3A_495 = arith.subi %add3A_493, %sub3A_494 : i32
      %dma_wait3A_496 = arith.constant 2 : i32
      %dma_wait3A_497 = arith.constant 2 : i32
      %dma_wait3A_498 = arith.constant 0 : i32
      %dma_wait3A_499 = arith.constant 0 : i32
      %dma_wait3A_500 = tpu.memref_slice %arg6[%dma_wait3A_496, %dma_wait3A_498, %dma_wait3A_499] : memref<5x128x128xf32, #tpu.memory_space<vmem>> -> memref<1x128x128xf32, #tpu.memory_space<vmem>>
      %dma_wait3A_501 = tpu.memref_squeeze %dma_wait3A_500 : memref<1x128x128xf32, #tpu.memory_space<vmem>> -> memref<128x128xf32, #tpu.memory_space<vmem>>
      %dma_wait3A_502 = arith.constant 0 : i32
      %dma_wait3A_503 = tpu.memref_slice %arg4[%sub3A_495, %mul3A_2, %dma_wait3A_502] : memref<50x4096x128xf32, #tpu.memory_space<hbm>> -> memref<1x128x128xf32, #tpu.memory_space<hbm>>
      %dma_wait3A_504 = tpu.memref_squeeze %dma_wait3A_503 : memref<1x128x128xf32, #tpu.memory_space<hbm>> -> memref<128x128xf32, #tpu.memory_space<hbm>>
      %dma_wait3A_505 = tpu.memref_slice %arg8[%dma_wait3A_497] : memref<5x!tpu.dma_semaphore, #tpu.memory_space<semaphore_mem>> -> memref<1x!tpu.dma_semaphore, #tpu.memory_space<semaphore_mem>>
      %dma_wait3A_506 = tpu.memref_squeeze %dma_wait3A_505 : memref<1x!tpu.dma_semaphore, #tpu.memory_space<semaphore_mem>> -> memref<!tpu.dma_semaphore, #tpu.memory_space<semaphore_mem>>
      %dma_wait3A_507 = arith.constant 0 : i32
      %dma_wait3A_508 = tpu.memref_slice %arg4[%sub3A_495, %mul3A_2, %dma_wait3A_507] : memref<50x4096x128xf32, #tpu.memory_space<hbm>> -> memref<1x128x128xf32, #tpu.memory_space<hbm>>
      %dma_wait3A_509 = tpu.memref_squeeze %dma_wait3A_508 : memref<1x128x128xf32, #tpu.memory_space<hbm>> -> memref<128x128xf32, #tpu.memory_space<hbm>>
      %dma_wait3A_510 = arith.constant 0 : i32
      %dma_wait3A_511 = arith.constant 0 : i32
      %dma_wait3A_512 = tpu.memref_slice %arg6[%dma_wait3A_496, %dma_wait3A_510, %dma_wait3A_511] : memref<5x128x128xf32, #tpu.memory_space<vmem>> -> memref<1x128x128xf32, #tpu.memory_space<vmem>>
      %dma_wait3A_513 = tpu.memref_squeeze %dma_wait3A_512 : memref<1x128x128xf32, #tpu.memory_space<vmem>> -> memref<128x128xf32, #tpu.memory_space<vmem>>
      tpu.wait_dma2 semaphore(%dma_wait3A_506 : memref<!tpu.dma_semaphore, #tpu.memory_space<semaphore_mem>>) src(%dma_wait3A_513 : memref<128x128xf32, #tpu.memory_space<vmem>>) dst(%dma_wait3A_509 : memref<128x128xf32, #tpu.memory_space<hbm>>)
      %dma_start3A_514 = arith.constant 2 : i32
      %dma_start3A_515 = arith.constant 2 : i32
      %dma_start3A_516 = arith.constant 0 : i32
      %dma_start3A_517 = arith.constant 0 : i32
      %dma_start3A_518 = tpu.memref_slice %arg6[%dma_start3A_514, %dma_start3A_516, %dma_start3A_517] : memref<5x128x128xf32, #tpu.memory_space<vmem>> -> memref<1x128x128xf32, #tpu.memory_space<vmem>>
      %dma_start3A_519 = tpu.memref_squeeze %dma_start3A_518 : memref<1x128x128xf32, #tpu.memory_space<vmem>> -> memref<128x128xf32, #tpu.memory_space<vmem>>
      %dma_start3A_520 = arith.constant 0 : i32
      %dma_start3A_521 = tpu.memref_slice %arg5[%add3A_493, %dma_start3A_520] : memref<50x128xi32, #tpu.memory_space<vmem>> -> memref<1x128xi32, #tpu.memory_space<vmem>>
      %dma_start3A_522 = tpu.memref_squeeze %dma_start3A_521 : memref<1x128xi32, #tpu.memory_space<vmem>> -> memref<128xi32, #tpu.memory_space<vmem>>
      %dma_start3A_523 = arith.constant 0 : i32
      %dma_start3A_524 = arith.constant 0 : i32
      %dma_start3A_525 = tpu.memref_slice %arg2[%dma_start3A_523, %dma_start3A_524] : memref<100000x128xf32, #tpu.memory_space<hbm>> -> memref<100000x128xf32, #tpu.memory_space<hbm>>
      %dma_start3A_526 = tpu.memref_slice %arg7[%dma_start3A_515] : memref<5x!tpu.dma_semaphore, #tpu.memory_space<semaphore_mem>> -> memref<1x!tpu.dma_semaphore, #tpu.memory_space<semaphore_mem>>
      %dma_start3A_527 = tpu.memref_squeeze %dma_start3A_526 : memref<1x!tpu.dma_semaphore, #tpu.memory_space<semaphore_mem>> -> memref<!tpu.dma_semaphore, #tpu.memory_space<semaphore_mem>>
      tpu.enqueue_indirect_dma source(%dma_start3A_525 : memref<100000x128xf32, #tpu.memory_space<hbm>>) target(%dma_start3A_519 : memref<128x128xf32, #tpu.memory_space<vmem>>) offsets(%dma_start3A_522 : memref<128xi32, #tpu.memory_space<vmem>>) semaphore(%dma_start3A_527 : memref<!tpu.dma_semaphore, #tpu.memory_space<semaphore_mem>>)
      %sub3A_528 = arith.constant 3 : i32
      %sub3A_529 = arith.subi %add3A_493, %sub3A_528 : i32
      %dma_wait3A_530 = arith.constant 4 : i32
      %dma_wait3A_531 = arith.constant 4 : i32
      %dma_wait3A_532 = arith.constant 0 : i32
      %dma_wait3A_533 = arith.constant 0 : i32
      %dma_wait3A_534 = tpu.memref_slice %arg6[%dma_wait3A_530, %dma_wait3A_532, %dma_wait3A_533] : memref<5x128x128xf32, #tpu.memory_space<vmem>> -> memref<1x128x128xf32, #tpu.memory_space<vmem>>
      %dma_wait3A_535 = tpu.memref_squeeze %dma_wait3A_534 : memref<1x128x128xf32, #tpu.memory_space<vmem>> -> memref<128x128xf32, #tpu.memory_space<vmem>>
      %dma_wait3A_536 = arith.constant 0 : i32
      %dma_wait3A_537 = tpu.memref_slice %arg5[%sub3A_529, %dma_wait3A_536] : memref<50x128xi32, #tpu.memory_space<vmem>> -> memref<1x128xi32, #tpu.memory_space<vmem>>
      %dma_wait3A_538 = tpu.memref_squeeze %dma_wait3A_537 : memref<1x128xi32, #tpu.memory_space<vmem>> -> memref<128xi32, #tpu.memory_space<vmem>>
      %dma_wait3A_539 = arith.constant 0 : i32
      %dma_wait3A_540 = arith.constant 0 : i32
      %dma_wait3A_541 = tpu.memref_slice %arg2[%dma_wait3A_539, %dma_wait3A_540] : memref<100000x128xf32, #tpu.memory_space<hbm>> -> memref<100000x128xf32, #tpu.memory_space<hbm>>
      %dma_wait3A_542 = tpu.memref_slice %arg7[%dma_wait3A_531] : memref<5x!tpu.dma_semaphore, #tpu.memory_space<semaphore_mem>> -> memref<1x!tpu.dma_semaphore, #tpu.memory_space<semaphore_mem>>
      %dma_wait3A_543 = tpu.memref_squeeze %dma_wait3A_542 : memref<1x!tpu.dma_semaphore, #tpu.memory_space<semaphore_mem>> -> memref<!tpu.dma_semaphore, #tpu.memory_space<semaphore_mem>>
      tpu.wait_indirect_dma semaphore(%dma_wait3A_543 : memref<!tpu.dma_semaphore, #tpu.memory_space<semaphore_mem>>) src(%dma_wait3A_541 : memref<100000x128xf32, #tpu.memory_space<hbm>>) dst(%dma_wait3A_535 : memref<128x128xf32, #tpu.memory_space<vmem>>)
      %dma_start3A_544 = arith.constant 4 : i32
      %dma_start3A_545 = arith.constant 4 : i32
      %dma_start3A_546 = arith.constant 0 : i32
      %dma_start3A_547 = arith.constant 0 : i32
      %dma_start3A_548 = tpu.memref_slice %arg6[%dma_start3A_544, %dma_start3A_546, %dma_start3A_547] : memref<5x128x128xf32, #tpu.memory_space<vmem>> -> memref<1x128x128xf32, #tpu.memory_space<vmem>>
      %dma_start3A_549 = tpu.memref_squeeze %dma_start3A_548 : memref<1x128x128xf32, #tpu.memory_space<vmem>> -> memref<128x128xf32, #tpu.memory_space<vmem>>
      %dma_start3A_550 = arith.constant 0 : i32
      %dma_start3A_551 = tpu.memref_slice %arg4[%sub3A_529, %mul3A_2, %dma_start3A_550] : memref<50x4096x128xf32, #tpu.memory_space<hbm>> -> memref<1x128x128xf32, #tpu.memory_space<hbm>>
      %dma_start3A_552 = tpu.memref_squeeze %dma_start3A_551 : memref<1x128x128xf32, #tpu.memory_space<hbm>> -> memref<128x128xf32, #tpu.memory_space<hbm>>
      %dma_start3A_553 = tpu.memref_slice %arg8[%dma_start3A_545] : memref<5x!tpu.dma_semaphore, #tpu.memory_space<semaphore_mem>> -> memref<1x!tpu.dma_semaphore, #tpu.memory_space<semaphore_mem>>
      %dma_start3A_554 = tpu.memref_squeeze %dma_start3A_553 : memref<1x!tpu.dma_semaphore, #tpu.memory_space<semaphore_mem>> -> memref<!tpu.dma_semaphore, #tpu.memory_space<semaphore_mem>>
      %dma_start3A_555 = arith.constant 0 : i32
      %dma_start3A_556 = tpu.memref_slice %arg4[%sub3A_529, %mul3A_2, %dma_start3A_555] : memref<50x4096x128xf32, #tpu.memory_space<hbm>> -> memref<1x128x128xf32, #tpu.memory_space<hbm>>
      %dma_start3A_557 = tpu.memref_squeeze %dma_start3A_556 : memref<1x128x128xf32, #tpu.memory_space<hbm>> -> memref<128x128xf32, #tpu.memory_space<hbm>>
      %dma_start3A_558 = arith.constant 0 : i32
      %dma_start3A_559 = arith.constant 0 : i32
      %dma_start3A_560 = tpu.memref_slice %arg6[%dma_start3A_544, %dma_start3A_558, %dma_start3A_559] : memref<5x128x128xf32, #tpu.memory_space<vmem>> -> memref<1x128x128xf32, #tpu.memory_space<vmem>>
      %dma_start3A_561 = tpu.memref_squeeze %dma_start3A_560 : memref<1x128x128xf32, #tpu.memory_space<vmem>> -> memref<128x128xf32, #tpu.memory_space<vmem>>
      tpu.enqueue_dma source(%dma_start3A_561 : memref<128x128xf32, #tpu.memory_space<vmem>>) target(%dma_start3A_557 : memref<128x128xf32, #tpu.memory_space<hbm>>) target_semaphore(%dma_start3A_554 : memref<!tpu.dma_semaphore, #tpu.memory_space<semaphore_mem>>)
      %mul3A_562 = arith.constant 5 : i32
      %mul3A_563 = arith.muli %scan3A_346, %mul3A_562 : i32
      %add3A_564 = arith.constant 3 : i32
      %add3A_565 = arith.addi %mul3A_563, %add3A_564 : i32
      %sub3A_566 = arith.constant 5 : i32
      %sub3A_567 = arith.subi %add3A_565, %sub3A_566 : i32
      %dma_wait3A_568 = arith.constant 3 : i32
      %dma_wait3A_569 = arith.constant 3 : i32
      %dma_wait3A_570 = arith.constant 0 : i32
      %dma_wait3A_571 = arith.constant 0 : i32
      %dma_wait3A_572 = tpu.memref_slice %arg6[%dma_wait3A_568, %dma_wait3A_570, %dma_wait3A_571] : memref<5x128x128xf32, #tpu.memory_space<vmem>> -> memref<1x128x128xf32, #tpu.memory_space<vmem>>
      %dma_wait3A_573 = tpu.memref_squeeze %dma_wait3A_572 : memref<1x128x128xf32, #tpu.memory_space<vmem>> -> memref<128x128xf32, #tpu.memory_space<vmem>>
      %dma_wait3A_574 = arith.constant 0 : i32
      %dma_wait3A_575 = tpu.memref_slice %arg4[%sub3A_567, %mul3A_2, %dma_wait3A_574] : memref<50x4096x128xf32, #tpu.memory_space<hbm>> -> memref<1x128x128xf32, #tpu.memory_space<hbm>>
      %dma_wait3A_576 = tpu.memref_squeeze %dma_wait3A_575 : memref<1x128x128xf32, #tpu.memory_space<hbm>> -> memref<128x128xf32, #tpu.memory_space<hbm>>
      %dma_wait3A_577 = tpu.memref_slice %arg8[%dma_wait3A_569] : memref<5x!tpu.dma_semaphore, #tpu.memory_space<semaphore_mem>> -> memref<1x!tpu.dma_semaphore, #tpu.memory_space<semaphore_mem>>
      %dma_wait3A_578 = tpu.memref_squeeze %dma_wait3A_577 : memref<1x!tpu.dma_semaphore, #tpu.memory_space<semaphore_mem>> -> memref<!tpu.dma_semaphore, #tpu.memory_space<semaphore_mem>>
      %dma_wait3A_579 = arith.constant 0 : i32
      %dma_wait3A_580 = tpu.memref_slice %arg4[%sub3A_567, %mul3A_2, %dma_wait3A_579] : memref<50x4096x128xf32, #tpu.memory_space<hbm>> -> memref<1x128x128xf32, #tpu.memory_space<hbm>>
      %dma_wait3A_581 = tpu.memref_squeeze %dma_wait3A_580 : memref<1x128x128xf32, #tpu.memory_space<hbm>> -> memref<128x128xf32, #tpu.memory_space<hbm>>
      %dma_wait3A_582 = arith.constant 0 : i32
      %dma_wait3A_583 = arith.constant 0 : i32
      %dma_wait3A_584 = tpu.memref_slice %arg6[%dma_wait3A_568, %dma_wait3A_582, %dma_wait3A_583] : memref<5x128x128xf32, #tpu.memory_space<vmem>> -> memref<1x128x128xf32, #tpu.memory_space<vmem>>
      %dma_wait3A_585 = tpu.memref_squeeze %dma_wait3A_584 : memref<1x128x128xf32, #tpu.memory_space<vmem>> -> memref<128x128xf32, #tpu.memory_space<vmem>>
      tpu.wait_dma2 semaphore(%dma_wait3A_578 : memref<!tpu.dma_semaphore, #tpu.memory_space<semaphore_mem>>) src(%dma_wait3A_585 : memref<128x128xf32, #tpu.memory_space<vmem>>) dst(%dma_wait3A_581 : memref<128x128xf32, #tpu.memory_space<hbm>>)
      %dma_start3A_586 = arith.constant 3 : i32
      %dma_start3A_587 = arith.constant 3 : i32
      %dma_start3A_588 = arith.constant 0 : i32
      %dma_start3A_589 = arith.constant 0 : i32
      %dma_start3A_590 = tpu.memref_slice %arg6[%dma_start3A_586, %dma_start3A_588, %dma_start3A_589] : memref<5x128x128xf32, #tpu.memory_space<vmem>> -> memref<1x128x128xf32, #tpu.memory_space<vmem>>
      %dma_start3A_591 = tpu.memref_squeeze %dma_start3A_590 : memref<1x128x128xf32, #tpu.memory_space<vmem>> -> memref<128x128xf32, #tpu.memory_space<vmem>>
      %dma_start3A_592 = arith.constant 0 : i32
      %dma_start3A_593 = tpu.memref_slice %arg5[%add3A_565, %dma_start3A_592] : memref<50x128xi32, #tpu.memory_space<vmem>> -> memref<1x128xi32, #tpu.memory_space<vmem>>
      %dma_start3A_594 = tpu.memref_squeeze %dma_start3A_593 : memref<1x128xi32, #tpu.memory_space<vmem>> -> memref<128xi32, #tpu.memory_space<vmem>>
      %dma_start3A_595 = arith.constant 0 : i32
      %dma_start3A_596 = arith.constant 0 : i32
      %dma_start3A_597 = tpu.memref_slice %arg2[%dma_start3A_595, %dma_start3A_596] : memref<100000x128xf32, #tpu.memory_space<hbm>> -> memref<100000x128xf32, #tpu.memory_space<hbm>>
      %dma_start3A_598 = tpu.memref_slice %arg7[%dma_start3A_587] : memref<5x!tpu.dma_semaphore, #tpu.memory_space<semaphore_mem>> -> memref<1x!tpu.dma_semaphore, #tpu.memory_space<semaphore_mem>>
      %dma_start3A_599 = tpu.memref_squeeze %dma_start3A_598 : memref<1x!tpu.dma_semaphore, #tpu.memory_space<semaphore_mem>> -> memref<!tpu.dma_semaphore, #tpu.memory_space<semaphore_mem>>
      tpu.enqueue_indirect_dma source(%dma_start3A_597 : memref<100000x128xf32, #tpu.memory_space<hbm>>) target(%dma_start3A_591 : memref<128x128xf32, #tpu.memory_space<vmem>>) offsets(%dma_start3A_594 : memref<128xi32, #tpu.memory_space<vmem>>) semaphore(%dma_start3A_599 : memref<!tpu.dma_semaphore, #tpu.memory_space<semaphore_mem>>)
      %sub3A_600 = arith.constant 3 : i32
      %sub3A_601 = arith.subi %add3A_565, %sub3A_600 : i32
      %dma_wait3A_602 = arith.constant 0 : i32
      %dma_wait3A_603 = arith.constant 0 : i32
      %dma_wait3A_604 = arith.constant 0 : i32
      %dma_wait3A_605 = arith.constant 0 : i32
      %dma_wait3A_606 = tpu.memref_slice %arg6[%dma_wait3A_602, %dma_wait3A_604, %dma_wait3A_605] : memref<5x128x128xf32, #tpu.memory_space<vmem>> -> memref<1x128x128xf32, #tpu.memory_space<vmem>>
      %dma_wait3A_607 = tpu.memref_squeeze %dma_wait3A_606 : memref<1x128x128xf32, #tpu.memory_space<vmem>> -> memref<128x128xf32, #tpu.memory_space<vmem>>
      %dma_wait3A_608 = arith.constant 0 : i32
      %dma_wait3A_609 = tpu.memref_slice %arg5[%sub3A_601, %dma_wait3A_608] : memref<50x128xi32, #tpu.memory_space<vmem>> -> memref<1x128xi32, #tpu.memory_space<vmem>>
      %dma_wait3A_610 = tpu.memref_squeeze %dma_wait3A_609 : memref<1x128xi32, #tpu.memory_space<vmem>> -> memref<128xi32, #tpu.memory_space<vmem>>
      %dma_wait3A_611 = arith.constant 0 : i32
      %dma_wait3A_612 = arith.constant 0 : i32
      %dma_wait3A_613 = tpu.memref_slice %arg2[%dma_wait3A_611, %dma_wait3A_612] : memref<100000x128xf32, #tpu.memory_space<hbm>> -> memref<100000x128xf32, #tpu.memory_space<hbm>>
      %dma_wait3A_614 = tpu.memref_slice %arg7[%dma_wait3A_603] : memref<5x!tpu.dma_semaphore, #tpu.memory_space<semaphore_mem>> -> memref<1x!tpu.dma_semaphore, #tpu.memory_space<semaphore_mem>>
      %dma_wait3A_615 = tpu.memref_squeeze %dma_wait3A_614 : memref<1x!tpu.dma_semaphore, #tpu.memory_space<semaphore_mem>> -> memref<!tpu.dma_semaphore, #tpu.memory_space<semaphore_mem>>
      tpu.wait_indirect_dma semaphore(%dma_wait3A_615 : memref<!tpu.dma_semaphore, #tpu.memory_space<semaphore_mem>>) src(%dma_wait3A_613 : memref<100000x128xf32, #tpu.memory_space<hbm>>) dst(%dma_wait3A_607 : memref<128x128xf32, #tpu.memory_space<vmem>>)
      %dma_start3A_616 = arith.constant 0 : i32
      %dma_start3A_617 = arith.constant 0 : i32
      %dma_start3A_618 = arith.constant 0 : i32
      %dma_start3A_619 = arith.constant 0 : i32
      %dma_start3A_620 = tpu.memref_slice %arg6[%dma_start3A_616, %dma_start3A_618, %dma_start3A_619] : memref<5x128x128xf32, #tpu.memory_space<vmem>> -> memref<1x128x128xf32, #tpu.memory_space<vmem>>
      %dma_start3A_621 = tpu.memref_squeeze %dma_start3A_620 : memref<1x128x128xf32, #tpu.memory_space<vmem>> -> memref<128x128xf32, #tpu.memory_space<vmem>>
      %dma_start3A_622 = arith.constant 0 : i32
      %dma_start3A_623 = tpu.memref_slice %arg4[%sub3A_601, %mul3A_2, %dma_start3A_622] : memref<50x4096x128xf32, #tpu.memory_space<hbm>> -> memref<1x128x128xf32, #tpu.memory_space<hbm>>
      %dma_start3A_624 = tpu.memref_squeeze %dma_start3A_623 : memref<1x128x128xf32, #tpu.memory_space<hbm>> -> memref<128x128xf32, #tpu.memory_space<hbm>>
      %dma_start3A_625 = tpu.memref_slice %arg8[%dma_start3A_617] : memref<5x!tpu.dma_semaphore, #tpu.memory_space<semaphore_mem>> -> memref<1x!tpu.dma_semaphore, #tpu.memory_space<semaphore_mem>>
      %dma_start3A_626 = tpu.memref_squeeze %dma_start3A_625 : memref<1x!tpu.dma_semaphore, #tpu.memory_space<semaphore_mem>> -> memref<!tpu.dma_semaphore, #tpu.memory_space<semaphore_mem>>
      %dma_start3A_627 = arith.constant 0 : i32
      %dma_start3A_628 = tpu.memref_slice %arg4[%sub3A_601, %mul3A_2, %dma_start3A_627] : memref<50x4096x128xf32, #tpu.memory_space<hbm>> -> memref<1x128x128xf32, #tpu.memory_space<hbm>>
      %dma_start3A_629 = tpu.memref_squeeze %dma_start3A_628 : memref<1x128x128xf32, #tpu.memory_space<hbm>> -> memref<128x128xf32, #tpu.memory_space<hbm>>
      %dma_start3A_630 = arith.constant 0 : i32
      %dma_start3A_631 = arith.constant 0 : i32
      %dma_start3A_632 = tpu.memref_slice %arg6[%dma_start3A_616, %dma_start3A_630, %dma_start3A_631] : memref<5x128x128xf32, #tpu.memory_space<vmem>> -> memref<1x128x128xf32, #tpu.memory_space<vmem>>
      %dma_start3A_633 = tpu.memref_squeeze %dma_start3A_632 : memref<1x128x128xf32, #tpu.memory_space<vmem>> -> memref<128x128xf32, #tpu.memory_space<vmem>>
      tpu.enqueue_dma source(%dma_start3A_633 : memref<128x128xf32, #tpu.memory_space<vmem>>) target(%dma_start3A_629 : memref<128x128xf32, #tpu.memory_space<hbm>>) target_semaphore(%dma_start3A_626 : memref<!tpu.dma_semaphore, #tpu.memory_space<semaphore_mem>>)
      %mul3A_634 = arith.constant 5 : i32
      %mul3A_635 = arith.muli %scan3A_346, %mul3A_634 : i32
      %add3A_636 = arith.constant 4 : i32
      %add3A_637 = arith.addi %mul3A_635, %add3A_636 : i32
      %sub3A_638 = arith.constant 5 : i32
      %sub3A_639 = arith.subi %add3A_637, %sub3A_638 : i32
      %dma_wait3A_640 = arith.constant 4 : i32
      %dma_wait3A_641 = arith.constant 4 : i32
      %dma_wait3A_642 = arith.constant 0 : i32
      %dma_wait3A_643 = arith.constant 0 : i32
      %dma_wait3A_644 = tpu.memref_slice %arg6[%dma_wait3A_640, %dma_wait3A_642, %dma_wait3A_643] : memref<5x128x128xf32, #tpu.memory_space<vmem>> -> memref<1x128x128xf32, #tpu.memory_space<vmem>>
      %dma_wait3A_645 = tpu.memref_squeeze %dma_wait3A_644 : memref<1x128x128xf32, #tpu.memory_space<vmem>> -> memref<128x128xf32, #tpu.memory_space<vmem>>
      %dma_wait3A_646 = arith.constant 0 : i32
      %dma_wait3A_647 = tpu.memref_slice %arg4[%sub3A_639, %mul3A_2, %dma_wait3A_646] : memref<50x4096x128xf32, #tpu.memory_space<hbm>> -> memref<1x128x128xf32, #tpu.memory_space<hbm>>
      %dma_wait3A_648 = tpu.memref_squeeze %dma_wait3A_647 : memref<1x128x128xf32, #tpu.memory_space<hbm>> -> memref<128x128xf32, #tpu.memory_space<hbm>>
      %dma_wait3A_649 = tpu.memref_slice %arg8[%dma_wait3A_641] : memref<5x!tpu.dma_semaphore, #tpu.memory_space<semaphore_mem>> -> memref<1x!tpu.dma_semaphore, #tpu.memory_space<semaphore_mem>>
      %dma_wait3A_650 = tpu.memref_squeeze %dma_wait3A_649 : memref<1x!tpu.dma_semaphore, #tpu.memory_space<semaphore_mem>> -> memref<!tpu.dma_semaphore, #tpu.memory_space<semaphore_mem>>
      %dma_wait3A_651 = arith.constant 0 : i32
      %dma_wait3A_652 = tpu.memref_slice %arg4[%sub3A_639, %mul3A_2, %dma_wait3A_651] : memref<50x4096x128xf32, #tpu.memory_space<hbm>> -> memref<1x128x128xf32, #tpu.memory_space<hbm>>
      %dma_wait3A_653 = tpu.memref_squeeze %dma_wait3A_652 : memref<1x128x128xf32, #tpu.memory_space<hbm>> -> memref<128x128xf32, #tpu.memory_space<hbm>>
      %dma_wait3A_654 = arith.constant 0 : i32
      %dma_wait3A_655 = arith.constant 0 : i32
      %dma_wait3A_656 = tpu.memref_slice %arg6[%dma_wait3A_640, %dma_wait3A_654, %dma_wait3A_655] : memref<5x128x128xf32, #tpu.memory_space<vmem>> -> memref<1x128x128xf32, #tpu.memory_space<vmem>>
      %dma_wait3A_657 = tpu.memref_squeeze %dma_wait3A_656 : memref<1x128x128xf32, #tpu.memory_space<vmem>> -> memref<128x128xf32, #tpu.memory_space<vmem>>
      tpu.wait_dma2 semaphore(%dma_wait3A_650 : memref<!tpu.dma_semaphore, #tpu.memory_space<semaphore_mem>>) src(%dma_wait3A_657 : memref<128x128xf32, #tpu.memory_space<vmem>>) dst(%dma_wait3A_653 : memref<128x128xf32, #tpu.memory_space<hbm>>)
      %dma_start3A_658 = arith.constant 4 : i32
      %dma_start3A_659 = arith.constant 4 : i32
      %dma_start3A_660 = arith.constant 0 : i32
      %dma_start3A_661 = arith.constant 0 : i32
      %dma_start3A_662 = tpu.memref_slice %arg6[%dma_start3A_658, %dma_start3A_660, %dma_start3A_661] : memref<5x128x128xf32, #tpu.memory_space<vmem>> -> memref<1x128x128xf32, #tpu.memory_space<vmem>>
      %dma_start3A_663 = tpu.memref_squeeze %dma_start3A_662 : memref<1x128x128xf32, #tpu.memory_space<vmem>> -> memref<128x128xf32, #tpu.memory_space<vmem>>
      %dma_start3A_664 = arith.constant 0 : i32
      %dma_start3A_665 = tpu.memref_slice %arg5[%add3A_637, %dma_start3A_664] : memref<50x128xi32, #tpu.memory_space<vmem>> -> memref<1x128xi32, #tpu.memory_space<vmem>>
      %dma_start3A_666 = tpu.memref_squeeze %dma_start3A_665 : memref<1x128xi32, #tpu.memory_space<vmem>> -> memref<128xi32, #tpu.memory_space<vmem>>
      %dma_start3A_667 = arith.constant 0 : i32
      %dma_start3A_668 = arith.constant 0 : i32
      %dma_start3A_669 = tpu.memref_slice %arg2[%dma_start3A_667, %dma_start3A_668] : memref<100000x128xf32, #tpu.memory_space<hbm>> -> memref<100000x128xf32, #tpu.memory_space<hbm>>
      %dma_start3A_670 = tpu.memref_slice %arg7[%dma_start3A_659] : memref<5x!tpu.dma_semaphore, #tpu.memory_space<semaphore_mem>> -> memref<1x!tpu.dma_semaphore, #tpu.memory_space<semaphore_mem>>
      %dma_start3A_671 = tpu.memref_squeeze %dma_start3A_670 : memref<1x!tpu.dma_semaphore, #tpu.memory_space<semaphore_mem>> -> memref<!tpu.dma_semaphore, #tpu.memory_space<semaphore_mem>>
      tpu.enqueue_indirect_dma source(%dma_start3A_669 : memref<100000x128xf32, #tpu.memory_space<hbm>>) target(%dma_start3A_663 : memref<128x128xf32, #tpu.memory_space<vmem>>) offsets(%dma_start3A_666 : memref<128xi32, #tpu.memory_space<vmem>>) semaphore(%dma_start3A_671 : memref<!tpu.dma_semaphore, #tpu.memory_space<semaphore_mem>>)
      %sub3A_672 = arith.constant 3 : i32
      %sub3A_673 = arith.subi %add3A_637, %sub3A_672 : i32
      %dma_wait3A_674 = arith.constant 1 : i32
      %dma_wait3A_675 = arith.constant 1 : i32
      %dma_wait3A_676 = arith.constant 0 : i32
      %dma_wait3A_677 = arith.constant 0 : i32
      %dma_wait3A_678 = tpu.memref_slice %arg6[%dma_wait3A_674, %dma_wait3A_676, %dma_wait3A_677] : memref<5x128x128xf32, #tpu.memory_space<vmem>> -> memref<1x128x128xf32, #tpu.memory_space<vmem>>
      %dma_wait3A_679 = tpu.memref_squeeze %dma_wait3A_678 : memref<1x128x128xf32, #tpu.memory_space<vmem>> -> memref<128x128xf32, #tpu.memory_space<vmem>>
      %dma_wait3A_680 = arith.constant 0 : i32
      %dma_wait3A_681 = tpu.memref_slice %arg5[%sub3A_673, %dma_wait3A_680] : memref<50x128xi32, #tpu.memory_space<vmem>> -> memref<1x128xi32, #tpu.memory_space<vmem>>
      %dma_wait3A_682 = tpu.memref_squeeze %dma_wait3A_681 : memref<1x128xi32, #tpu.memory_space<vmem>> -> memref<128xi32, #tpu.memory_space<vmem>>
      %dma_wait3A_683 = arith.constant 0 : i32
      %dma_wait3A_684 = arith.constant 0 : i32
      %dma_wait3A_685 = tpu.memref_slice %arg2[%dma_wait3A_683, %dma_wait3A_684] : memref<100000x128xf32, #tpu.memory_space<hbm>> -> memref<100000x128xf32, #tpu.memory_space<hbm>>
      %dma_wait3A_686 = tpu.memref_slice %arg7[%dma_wait3A_675] : memref<5x!tpu.dma_semaphore, #tpu.memory_space<semaphore_mem>> -> memref<1x!tpu.dma_semaphore, #tpu.memory_space<semaphore_mem>>
      %dma_wait3A_687 = tpu.memref_squeeze %dma_wait3A_686 : memref<1x!tpu.dma_semaphore, #tpu.memory_space<semaphore_mem>> -> memref<!tpu.dma_semaphore, #tpu.memory_space<semaphore_mem>>
      tpu.wait_indirect_dma semaphore(%dma_wait3A_687 : memref<!tpu.dma_semaphore, #tpu.memory_space<semaphore_mem>>) src(%dma_wait3A_685 : memref<100000x128xf32, #tpu.memory_space<hbm>>) dst(%dma_wait3A_679 : memref<128x128xf32, #tpu.memory_space<vmem>>)
      %dma_start3A_688 = arith.constant 1 : i32
      %dma_start3A_689 = arith.constant 1 : i32
      %dma_start3A_690 = arith.constant 0 : i32
      %dma_start3A_691 = arith.constant 0 : i32
      %dma_start3A_692 = tpu.memref_slice %arg6[%dma_start3A_688, %dma_start3A_690, %dma_start3A_691] : memref<5x128x128xf32, #tpu.memory_space<vmem>> -> memref<1x128x128xf32, #tpu.memory_space<vmem>>
      %dma_start3A_693 = tpu.memref_squeeze %dma_start3A_692 : memref<1x128x128xf32, #tpu.memory_space<vmem>> -> memref<128x128xf32, #tpu.memory_space<vmem>>
      %dma_start3A_694 = arith.constant 0 : i32
      %dma_start3A_695 = tpu.memref_slice %arg4[%sub3A_673, %mul3A_2, %dma_start3A_694] : memref<50x4096x128xf32, #tpu.memory_space<hbm>> -> memref<1x128x128xf32, #tpu.memory_space<hbm>>
      %dma_start3A_696 = tpu.memref_squeeze %dma_start3A_695 : memref<1x128x128xf32, #tpu.memory_space<hbm>> -> memref<128x128xf32, #tpu.memory_space<hbm>>
      %dma_start3A_697 = tpu.memref_slice %arg8[%dma_start3A_689] : memref<5x!tpu.dma_semaphore, #tpu.memory_space<semaphore_mem>> -> memref<1x!tpu.dma_semaphore, #tpu.memory_space<semaphore_mem>>
      %dma_start3A_698 = tpu.memref_squeeze %dma_start3A_697 : memref<1x!tpu.dma_semaphore, #tpu.memory_space<semaphore_mem>> -> memref<!tpu.dma_semaphore, #tpu.memory_space<semaphore_mem>>
      %dma_start3A_699 = arith.constant 0 : i32
      %dma_start3A_700 = tpu.memref_slice %arg4[%sub3A_673, %mul3A_2, %dma_start3A_699] : memref<50x4096x128xf32, #tpu.memory_space<hbm>> -> memref<1x128x128xf32, #tpu.memory_space<hbm>>
      %dma_start3A_701 = tpu.memref_squeeze %dma_start3A_700 : memref<1x128x128xf32, #tpu.memory_space<hbm>> -> memref<128x128xf32, #tpu.memory_space<hbm>>
      %dma_start3A_702 = arith.constant 0 : i32
      %dma_start3A_703 = arith.constant 0 : i32
      %dma_start3A_704 = tpu.memref_slice %arg6[%dma_start3A_688, %dma_start3A_702, %dma_start3A_703] : memref<5x128x128xf32, #tpu.memory_space<vmem>> -> memref<1x128x128xf32, #tpu.memory_space<vmem>>
      %dma_start3A_705 = tpu.memref_squeeze %dma_start3A_704 : memref<1x128x128xf32, #tpu.memory_space<vmem>> -> memref<128x128xf32, #tpu.memory_space<vmem>>
      tpu.enqueue_dma source(%dma_start3A_705 : memref<128x128xf32, #tpu.memory_space<vmem>>) target(%dma_start3A_701 : memref<128x128xf32, #tpu.memory_space<hbm>>) target_semaphore(%dma_start3A_698 : memref<!tpu.dma_semaphore, #tpu.memory_space<semaphore_mem>>)
    }
    %scan3A_148 = arith.constant 9 : i32
    %dma_wait3A_149 = arith.constant 47 : i32
    %dma_wait3A_150 = arith.constant 2 : i32
    %dma_wait3A_151 = arith.constant 2 : i32
    %dma_wait3A_152 = arith.constant 0 : i32
    %dma_wait3A_153 = arith.constant 0 : i32
    %dma_wait3A_154 = tpu.memref_slice %arg6[%dma_wait3A_150, %dma_wait3A_152, %dma_wait3A_153] : memref<5x128x128xf32, #tpu.memory_space<vmem>> -> memref<1x128x128xf32, #tpu.memory_space<vmem>>
    %dma_wait3A_155 = tpu.memref_squeeze %dma_wait3A_154 : memref<1x128x128xf32, #tpu.memory_space<vmem>> -> memref<128x128xf32, #tpu.memory_space<vmem>>
    %dma_wait3A_156 = arith.constant 0 : i32
    %dma_wait3A_157 = tpu.memref_slice %arg5[%dma_wait3A_149, %dma_wait3A_156] : memref<50x128xi32, #tpu.memory_space<vmem>> -> memref<1x128xi32, #tpu.memory_space<vmem>>
    %dma_wait3A_158 = tpu.memref_squeeze %dma_wait3A_157 : memref<1x128xi32, #tpu.memory_space<vmem>> -> memref<128xi32, #tpu.memory_space<vmem>>
    %dma_wait3A_159 = arith.constant 0 : i32
    %dma_wait3A_160 = arith.constant 0 : i32
    %dma_wait3A_161 = tpu.memref_slice %arg2[%dma_wait3A_159, %dma_wait3A_160] : memref<100000x128xf32, #tpu.memory_space<hbm>> -> memref<100000x128xf32, #tpu.memory_space<hbm>>
    %dma_wait3A_162 = tpu.memref_slice %arg7[%dma_wait3A_151] : memref<5x!tpu.dma_semaphore, #tpu.memory_space<semaphore_mem>> -> memref<1x!tpu.dma_semaphore, #tpu.memory_space<semaphore_mem>>
    %dma_wait3A_163 = tpu.memref_squeeze %dma_wait3A_162 : memref<1x!tpu.dma_semaphore, #tpu.memory_space<semaphore_mem>> -> memref<!tpu.dma_semaphore, #tpu.memory_space<semaphore_mem>>
    tpu.wait_indirect_dma semaphore(%dma_wait3A_163 : memref<!tpu.dma_semaphore, #tpu.memory_space<semaphore_mem>>) src(%dma_wait3A_161 : memref<100000x128xf32, #tpu.memory_space<hbm>>) dst(%dma_wait3A_155 : memref<128x128xf32, #tpu.memory_space<vmem>>)
    %dma_start3A_164 = arith.constant 2 : i32
    %dma_start3A_165 = arith.constant 47 : i32
    %dma_start3A_166 = arith.constant 2 : i32
    %dma_start3A_167 = arith.constant 0 : i32
    %dma_start3A_168 = arith.constant 0 : i32
    %dma_start3A_169 = tpu.memref_slice %arg6[%dma_start3A_164, %dma_start3A_167, %dma_start3A_168] : memref<5x128x128xf32, #tpu.memory_space<vmem>> -> memref<1x128x128xf32, #tpu.memory_space<vmem>>
    %dma_start3A_170 = tpu.memref_squeeze %dma_start3A_169 : memref<1x128x128xf32, #tpu.memory_space<vmem>> -> memref<128x128xf32, #tpu.memory_space<vmem>>
    %dma_start3A_171 = arith.constant 0 : i32
    %dma_start3A_172 = tpu.memref_slice %arg4[%dma_start3A_165, %mul3A_2, %dma_start3A_171] : memref<50x4096x128xf32, #tpu.memory_space<hbm>> -> memref<1x128x128xf32, #tpu.memory_space<hbm>>
    %dma_start3A_173 = tpu.memref_squeeze %dma_start3A_172 : memref<1x128x128xf32, #tpu.memory_space<hbm>> -> memref<128x128xf32, #tpu.memory_space<hbm>>
    %dma_start3A_174 = tpu.memref_slice %arg8[%dma_start3A_166] : memref<5x!tpu.dma_semaphore, #tpu.memory_space<semaphore_mem>> -> memref<1x!tpu.dma_semaphore, #tpu.memory_space<semaphore_mem>>
    %dma_start3A_175 = tpu.memref_squeeze %dma_start3A_174 : memref<1x!tpu.dma_semaphore, #tpu.memory_space<semaphore_mem>> -> memref<!tpu.dma_semaphore, #tpu.memory_space<semaphore_mem>>
    %dma_start3A_176 = arith.constant 0 : i32
    %dma_start3A_177 = tpu.memref_slice %arg4[%dma_start3A_165, %mul3A_2, %dma_start3A_176] : memref<50x4096x128xf32, #tpu.memory_space<hbm>> -> memref<1x128x128xf32, #tpu.memory_space<hbm>>
    %dma_start3A_178 = tpu.memref_squeeze %dma_start3A_177 : memref<1x128x128xf32, #tpu.memory_space<hbm>> -> memref<128x128xf32, #tpu.memory_space<hbm>>
    %dma_start3A_179 = arith.constant 0 : i32
    %dma_start3A_180 = arith.constant 0 : i32
    %dma_start3A_181 = tpu.memref_slice %arg6[%dma_start3A_164, %dma_start3A_179, %dma_start3A_180] : memref<5x128x128xf32, #tpu.memory_space<vmem>> -> memref<1x128x128xf32, #tpu.memory_space<vmem>>
    %dma_start3A_182 = tpu.memref_squeeze %dma_start3A_181 : memref<1x128x128xf32, #tpu.memory_space<vmem>> -> memref<128x128xf32, #tpu.memory_space<vmem>>
    tpu.enqueue_dma source(%dma_start3A_182 : memref<128x128xf32, #tpu.memory_space<vmem>>) target(%dma_start3A_178 : memref<128x128xf32, #tpu.memory_space<hbm>>) target_semaphore(%dma_start3A_175 : memref<!tpu.dma_semaphore, #tpu.memory_space<semaphore_mem>>)
    %dma_wait3A_183 = arith.constant 48 : i32
    %dma_wait3A_184 = arith.constant 3 : i32
    %dma_wait3A_185 = arith.constant 3 : i32
    %dma_wait3A_186 = arith.constant 0 : i32
    %dma_wait3A_187 = arith.constant 0 : i32
    %dma_wait3A_188 = tpu.memref_slice %arg6[%dma_wait3A_184, %dma_wait3A_186, %dma_wait3A_187] : memref<5x128x128xf32, #tpu.memory_space<vmem>> -> memref<1x128x128xf32, #tpu.memory_space<vmem>>
    %dma_wait3A_189 = tpu.memref_squeeze %dma_wait3A_188 : memref<1x128x128xf32, #tpu.memory_space<vmem>> -> memref<128x128xf32, #tpu.memory_space<vmem>>
    %dma_wait3A_190 = arith.constant 0 : i32
    %dma_wait3A_191 = tpu.memref_slice %arg5[%dma_wait3A_183, %dma_wait3A_190] : memref<50x128xi32, #tpu.memory_space<vmem>> -> memref<1x128xi32, #tpu.memory_space<vmem>>
    %dma_wait3A_192 = tpu.memref_squeeze %dma_wait3A_191 : memref<1x128xi32, #tpu.memory_space<vmem>> -> memref<128xi32, #tpu.memory_space<vmem>>
    %dma_wait3A_193 = arith.constant 0 : i32
    %dma_wait3A_194 = arith.constant 0 : i32
    %dma_wait3A_195 = tpu.memref_slice %arg2[%dma_wait3A_193, %dma_wait3A_194] : memref<100000x128xf32, #tpu.memory_space<hbm>> -> memref<100000x128xf32, #tpu.memory_space<hbm>>
    %dma_wait3A_196 = tpu.memref_slice %arg7[%dma_wait3A_185] : memref<5x!tpu.dma_semaphore, #tpu.memory_space<semaphore_mem>> -> memref<1x!tpu.dma_semaphore, #tpu.memory_space<semaphore_mem>>
    %dma_wait3A_197 = tpu.memref_squeeze %dma_wait3A_196 : memref<1x!tpu.dma_semaphore, #tpu.memory_space<semaphore_mem>> -> memref<!tpu.dma_semaphore, #tpu.memory_space<semaphore_mem>>
    tpu.wait_indirect_dma semaphore(%dma_wait3A_197 : memref<!tpu.dma_semaphore, #tpu.memory_space<semaphore_mem>>) src(%dma_wait3A_195 : memref<100000x128xf32, #tpu.memory_space<hbm>>) dst(%dma_wait3A_189 : memref<128x128xf32, #tpu.memory_space<vmem>>)
    %dma_start3A_198 = arith.constant 3 : i32
    %dma_start3A_199 = arith.constant 48 : i32
    %dma_start3A_200 = arith.constant 3 : i32
    %dma_start3A_201 = arith.constant 0 : i32
    %dma_start3A_202 = arith.constant 0 : i32
    %dma_start3A_203 = tpu.memref_slice %arg6[%dma_start3A_198, %dma_start3A_201, %dma_start3A_202] : memref<5x128x128xf32, #tpu.memory_space<vmem>> -> memref<1x128x128xf32, #tpu.memory_space<vmem>>
    %dma_start3A_204 = tpu.memref_squeeze %dma_start3A_203 : memref<1x128x128xf32, #tpu.memory_space<vmem>> -> memref<128x128xf32, #tpu.memory_space<vmem>>
    %dma_start3A_205 = arith.constant 0 : i32
    %dma_start3A_206 = tpu.memref_slice %arg4[%dma_start3A_199, %mul3A_2, %dma_start3A_205] : memref<50x4096x128xf32, #tpu.memory_space<hbm>> -> memref<1x128x128xf32, #tpu.memory_space<hbm>>
    %dma_start3A_207 = tpu.memref_squeeze %dma_start3A_206 : memref<1x128x128xf32, #tpu.memory_space<hbm>> -> memref<128x128xf32, #tpu.memory_space<hbm>>
    %dma_start3A_208 = tpu.memref_slice %arg8[%dma_start3A_200] : memref<5x!tpu.dma_semaphore, #tpu.memory_space<semaphore_mem>> -> memref<1x!tpu.dma_semaphore, #tpu.memory_space<semaphore_mem>>
    %dma_start3A_209 = tpu.memref_squeeze %dma_start3A_208 : memref<1x!tpu.dma_semaphore, #tpu.memory_space<semaphore_mem>> -> memref<!tpu.dma_semaphore, #tpu.memory_space<semaphore_mem>>
    %dma_start3A_210 = arith.constant 0 : i32
    %dma_start3A_211 = tpu.memref_slice %arg4[%dma_start3A_199, %mul3A_2, %dma_start3A_210] : memref<50x4096x128xf32, #tpu.memory_space<hbm>> -> memref<1x128x128xf32, #tpu.memory_space<hbm>>
    %dma_start3A_212 = tpu.memref_squeeze %dma_start3A_211 : memref<1x128x128xf32, #tpu.memory_space<hbm>> -> memref<128x128xf32, #tpu.memory_space<hbm>>
    %dma_start3A_213 = arith.constant 0 : i32
    %dma_start3A_214 = arith.constant 0 : i32
    %dma_start3A_215 = tpu.memref_slice %arg6[%dma_start3A_198, %dma_start3A_213, %dma_start3A_214] : memref<5x128x128xf32, #tpu.memory_space<vmem>> -> memref<1x128x128xf32, #tpu.memory_space<vmem>>
    %dma_start3A_216 = tpu.memref_squeeze %dma_start3A_215 : memref<1x128x128xf32, #tpu.memory_space<vmem>> -> memref<128x128xf32, #tpu.memory_space<vmem>>
    tpu.enqueue_dma source(%dma_start3A_216 : memref<128x128xf32, #tpu.memory_space<vmem>>) target(%dma_start3A_212 : memref<128x128xf32, #tpu.memory_space<hbm>>) target_semaphore(%dma_start3A_209 : memref<!tpu.dma_semaphore, #tpu.memory_space<semaphore_mem>>)
    %dma_wait3A_217 = arith.constant 49 : i32
    %dma_wait3A_218 = arith.constant 4 : i32
    %dma_wait3A_219 = arith.constant 4 : i32
    %dma_wait3A_220 = arith.constant 0 : i32
    %dma_wait3A_221 = arith.constant 0 : i32
    %dma_wait3A_222 = tpu.memref_slice %arg6[%dma_wait3A_218, %dma_wait3A_220, %dma_wait3A_221] : memref<5x128x128xf32, #tpu.memory_space<vmem>> -> memref<1x128x128xf32, #tpu.memory_space<vmem>>
    %dma_wait3A_223 = tpu.memref_squeeze %dma_wait3A_222 : memref<1x128x128xf32, #tpu.memory_space<vmem>> -> memref<128x128xf32, #tpu.memory_space<vmem>>
    %dma_wait3A_224 = arith.constant 0 : i32
    %dma_wait3A_225 = tpu.memref_slice %arg5[%dma_wait3A_217, %dma_wait3A_224] : memref<50x128xi32, #tpu.memory_space<vmem>> -> memref<1x128xi32, #tpu.memory_space<vmem>>
    %dma_wait3A_226 = tpu.memref_squeeze %dma_wait3A_225 : memref<1x128xi32, #tpu.memory_space<vmem>> -> memref<128xi32, #tpu.memory_space<vmem>>
    %dma_wait3A_227 = arith.constant 0 : i32
    %dma_wait3A_228 = arith.constant 0 : i32
    %dma_wait3A_229 = tpu.memref_slice %arg2[%dma_wait3A_227, %dma_wait3A_228] : memref<100000x128xf32, #tpu.memory_space<hbm>> -> memref<100000x128xf32, #tpu.memory_space<hbm>>
    %dma_wait3A_230 = tpu.memref_slice %arg7[%dma_wait3A_219] : memref<5x!tpu.dma_semaphore, #tpu.memory_space<semaphore_mem>> -> memref<1x!tpu.dma_semaphore, #tpu.memory_space<semaphore_mem>>
    %dma_wait3A_231 = tpu.memref_squeeze %dma_wait3A_230 : memref<1x!tpu.dma_semaphore, #tpu.memory_space<semaphore_mem>> -> memref<!tpu.dma_semaphore, #tpu.memory_space<semaphore_mem>>
    tpu.wait_indirect_dma semaphore(%dma_wait3A_231 : memref<!tpu.dma_semaphore, #tpu.memory_space<semaphore_mem>>) src(%dma_wait3A_229 : memref<100000x128xf32, #tpu.memory_space<hbm>>) dst(%dma_wait3A_223 : memref<128x128xf32, #tpu.memory_space<vmem>>)
    %dma_start3A_232 = arith.constant 4 : i32
    %dma_start3A_233 = arith.constant 49 : i32
    %dma_start3A_234 = arith.constant 4 : i32
    %dma_start3A_235 = arith.constant 0 : i32
    %dma_start3A_236 = arith.constant 0 : i32
    %dma_start3A_237 = tpu.memref_slice %arg6[%dma_start3A_232, %dma_start3A_235, %dma_start3A_236] : memref<5x128x128xf32, #tpu.memory_space<vmem>> -> memref<1x128x128xf32, #tpu.memory_space<vmem>>
    %dma_start3A_238 = tpu.memref_squeeze %dma_start3A_237 : memref<1x128x128xf32, #tpu.memory_space<vmem>> -> memref<128x128xf32, #tpu.memory_space<vmem>>
    %dma_start3A_239 = arith.constant 0 : i32
    %dma_start3A_240 = tpu.memref_slice %arg4[%dma_start3A_233, %mul3A_2, %dma_start3A_239] : memref<50x4096x128xf32, #tpu.memory_space<hbm>> -> memref<1x128x128xf32, #tpu.memory_space<hbm>>
    %dma_start3A_241 = tpu.memref_squeeze %dma_start3A_240 : memref<1x128x128xf32, #tpu.memory_space<hbm>> -> memref<128x128xf32, #tpu.memory_space<hbm>>
    %dma_start3A_242 = tpu.memref_slice %arg8[%dma_start3A_234] : memref<5x!tpu.dma_semaphore, #tpu.memory_space<semaphore_mem>> -> memref<1x!tpu.dma_semaphore, #tpu.memory_space<semaphore_mem>>
    %dma_start3A_243 = tpu.memref_squeeze %dma_start3A_242 : memref<1x!tpu.dma_semaphore, #tpu.memory_space<semaphore_mem>> -> memref<!tpu.dma_semaphore, #tpu.memory_space<semaphore_mem>>
    %dma_start3A_244 = arith.constant 0 : i32
    %dma_start3A_245 = tpu.memref_slice %arg4[%dma_start3A_233, %mul3A_2, %dma_start3A_244] : memref<50x4096x128xf32, #tpu.memory_space<hbm>> -> memref<1x128x128xf32, #tpu.memory_space<hbm>>
    %dma_start3A_246 = tpu.memref_squeeze %dma_start3A_245 : memref<1x128x128xf32, #tpu.memory_space<hbm>> -> memref<128x128xf32, #tpu.memory_space<hbm>>
    %dma_start3A_247 = arith.constant 0 : i32
    %dma_start3A_248 = arith.constant 0 : i32
    %dma_start3A_249 = tpu.memref_slice %arg6[%dma_start3A_232, %dma_start3A_247, %dma_start3A_248] : memref<5x128x128xf32, #tpu.memory_space<vmem>> -> memref<1x128x128xf32, #tpu.memory_space<vmem>>
    %dma_start3A_250 = tpu.memref_squeeze %dma_start3A_249 : memref<1x128x128xf32, #tpu.memory_space<vmem>> -> memref<128x128xf32, #tpu.memory_space<vmem>>
    tpu.enqueue_dma source(%dma_start3A_250 : memref<128x128xf32, #tpu.memory_space<vmem>>) target(%dma_start3A_246 : memref<128x128xf32, #tpu.memory_space<hbm>>) target_semaphore(%dma_start3A_243 : memref<!tpu.dma_semaphore, #tpu.memory_space<semaphore_mem>>)
    %dma_wait3A_251 = arith.constant 0 : i32
    %dma_wait3A_252 = arith.constant 45 : i32
    %dma_wait3A_253 = arith.constant 0 : i32
    %dma_wait3A_254 = arith.constant 0 : i32
    %dma_wait3A_255 = arith.constant 0 : i32
    %dma_wait3A_256 = tpu.memref_slice %arg6[%dma_wait3A_251, %dma_wait3A_254, %dma_wait3A_255] : memref<5x128x128xf32, #tpu.memory_space<vmem>> -> memref<1x128x128xf32, #tpu.memory_space<vmem>>
    %dma_wait3A_257 = tpu.memref_squeeze %dma_wait3A_256 : memref<1x128x128xf32, #tpu.memory_space<vmem>> -> memref<128x128xf32, #tpu.memory_space<vmem>>
    %dma_wait3A_258 = arith.constant 0 : i32
    %dma_wait3A_259 = tpu.memref_slice %arg4[%dma_wait3A_252, %mul3A_2, %dma_wait3A_258] : memref<50x4096x128xf32, #tpu.memory_space<hbm>> -> memref<1x128x128xf32, #tpu.memory_space<hbm>>
    %dma_wait3A_260 = tpu.memref_squeeze %dma_wait3A_259 : memref<1x128x128xf32, #tpu.memory_space<hbm>> -> memref<128x128xf32, #tpu.memory_space<hbm>>
    %dma_wait3A_261 = tpu.memref_slice %arg8[%dma_wait3A_253] : memref<5x!tpu.dma_semaphore, #tpu.memory_space<semaphore_mem>> -> memref<1x!tpu.dma_semaphore, #tpu.memory_space<semaphore_mem>>
    %dma_wait3A_262 = tpu.memref_squeeze %dma_wait3A_261 : memref<1x!tpu.dma_semaphore, #tpu.memory_space<semaphore_mem>> -> memref<!tpu.dma_semaphore, #tpu.memory_space<semaphore_mem>>
    %dma_wait3A_263 = arith.constant 0 : i32
    %dma_wait3A_264 = tpu.memref_slice %arg4[%dma_wait3A_252, %mul3A_2, %dma_wait3A_263] : memref<50x4096x128xf32, #tpu.memory_space<hbm>> -> memref<1x128x128xf32, #tpu.memory_space<hbm>>
    %dma_wait3A_265 = tpu.memref_squeeze %dma_wait3A_264 : memref<1x128x128xf32, #tpu.memory_space<hbm>> -> memref<128x128xf32, #tpu.memory_space<hbm>>
    %dma_wait3A_266 = arith.constant 0 : i32
    %dma_wait3A_267 = arith.constant 0 : i32
    %dma_wait3A_268 = tpu.memref_slice %arg6[%dma_wait3A_251, %dma_wait3A_266, %dma_wait3A_267] : memref<5x128x128xf32, #tpu.memory_space<vmem>> -> memref<1x128x128xf32, #tpu.memory_space<vmem>>
    %dma_wait3A_269 = tpu.memref_squeeze %dma_wait3A_268 : memref<1x128x128xf32, #tpu.memory_space<vmem>> -> memref<128x128xf32, #tpu.memory_space<vmem>>
    tpu.wait_dma2 semaphore(%dma_wait3A_262 : memref<!tpu.dma_semaphore, #tpu.memory_space<semaphore_mem>>) src(%dma_wait3A_269 : memref<128x128xf32, #tpu.memory_space<vmem>>) dst(%dma_wait3A_265 : memref<128x128xf32, #tpu.memory_space<hbm>>)
    %dma_wait3A_270 = arith.constant 1 : i32
    %dma_wait3A_271 = arith.constant 46 : i32
    %dma_wait3A_272 = arith.constant 1 : i32
    %dma_wait3A_273 = arith.constant 0 : i32
    %dma_wait3A_274 = arith.constant 0 : i32
    %dma_wait3A_275 = tpu.memref_slice %arg6[%dma_wait3A_270, %dma_wait3A_273, %dma_wait3A_274] : memref<5x128x128xf32, #tpu.memory_space<vmem>> -> memref<1x128x128xf32, #tpu.memory_space<vmem>>
    %dma_wait3A_276 = tpu.memref_squeeze %dma_wait3A_275 : memref<1x128x128xf32, #tpu.memory_space<vmem>> -> memref<128x128xf32, #tpu.memory_space<vmem>>
    %dma_wait3A_277 = arith.constant 0 : i32
    %dma_wait3A_278 = tpu.memref_slice %arg4[%dma_wait3A_271, %mul3A_2, %dma_wait3A_277] : memref<50x4096x128xf32, #tpu.memory_space<hbm>> -> memref<1x128x128xf32, #tpu.memory_space<hbm>>
    %dma_wait3A_279 = tpu.memref_squeeze %dma_wait3A_278 : memref<1x128x128xf32, #tpu.memory_space<hbm>> -> memref<128x128xf32, #tpu.memory_space<hbm>>
    %dma_wait3A_280 = tpu.memref_slice %arg8[%dma_wait3A_272] : memref<5x!tpu.dma_semaphore, #tpu.memory_space<semaphore_mem>> -> memref<1x!tpu.dma_semaphore, #tpu.memory_space<semaphore_mem>>
    %dma_wait3A_281 = tpu.memref_squeeze %dma_wait3A_280 : memref<1x!tpu.dma_semaphore, #tpu.memory_space<semaphore_mem>> -> memref<!tpu.dma_semaphore, #tpu.memory_space<semaphore_mem>>
    %dma_wait3A_282 = arith.constant 0 : i32
    %dma_wait3A_283 = tpu.memref_slice %arg4[%dma_wait3A_271, %mul3A_2, %dma_wait3A_282] : memref<50x4096x128xf32, #tpu.memory_space<hbm>> -> memref<1x128x128xf32, #tpu.memory_space<hbm>>
    %dma_wait3A_284 = tpu.memref_squeeze %dma_wait3A_283 : memref<1x128x128xf32, #tpu.memory_space<hbm>> -> memref<128x128xf32, #tpu.memory_space<hbm>>
    %dma_wait3A_285 = arith.constant 0 : i32
    %dma_wait3A_286 = arith.constant 0 : i32
    %dma_wait3A_287 = tpu.memref_slice %arg6[%dma_wait3A_270, %dma_wait3A_285, %dma_wait3A_286] : memref<5x128x128xf32, #tpu.memory_space<vmem>> -> memref<1x128x128xf32, #tpu.memory_space<vmem>>
    %dma_wait3A_288 = tpu.memref_squeeze %dma_wait3A_287 : memref<1x128x128xf32, #tpu.memory_space<vmem>> -> memref<128x128xf32, #tpu.memory_space<vmem>>
    tpu.wait_dma2 semaphore(%dma_wait3A_281 : memref<!tpu.dma_semaphore, #tpu.memory_space<semaphore_mem>>) src(%dma_wait3A_288 : memref<128x128xf32, #tpu.memory_space<vmem>>) dst(%dma_wait3A_284 : memref<128x128xf32, #tpu.memory_space<hbm>>)
    %dma_wait3A_289 = arith.constant 2 : i32
    %dma_wait3A_290 = arith.constant 47 : i32
    %dma_wait3A_291 = arith.constant 2 : i32
    %dma_wait3A_292 = arith.constant 0 : i32
    %dma_wait3A_293 = arith.constant 0 : i32
    %dma_wait3A_294 = tpu.memref_slice %arg6[%dma_wait3A_289, %dma_wait3A_292, %dma_wait3A_293] : memref<5x128x128xf32, #tpu.memory_space<vmem>> -> memref<1x128x128xf32, #tpu.memory_space<vmem>>
    %dma_wait3A_295 = tpu.memref_squeeze %dma_wait3A_294 : memref<1x128x128xf32, #tpu.memory_space<vmem>> -> memref<128x128xf32, #tpu.memory_space<vmem>>
    %dma_wait3A_296 = arith.constant 0 : i32
    %dma_wait3A_297 = tpu.memref_slice %arg4[%dma_wait3A_290, %mul3A_2, %dma_wait3A_296] : memref<50x4096x128xf32, #tpu.memory_space<hbm>> -> memref<1x128x128xf32, #tpu.memory_space<hbm>>
    %dma_wait3A_298 = tpu.memref_squeeze %dma_wait3A_297 : memref<1x128x128xf32, #tpu.memory_space<hbm>> -> memref<128x128xf32, #tpu.memory_space<hbm>>
    %dma_wait3A_299 = tpu.memref_slice %arg8[%dma_wait3A_291] : memref<5x!tpu.dma_semaphore, #tpu.memory_space<semaphore_mem>> -> memref<1x!tpu.dma_semaphore, #tpu.memory_space<semaphore_mem>>
    %dma_wait3A_300 = tpu.memref_squeeze %dma_wait3A_299 : memref<1x!tpu.dma_semaphore, #tpu.memory_space<semaphore_mem>> -> memref<!tpu.dma_semaphore, #tpu.memory_space<semaphore_mem>>
    %dma_wait3A_301 = arith.constant 0 : i32
    %dma_wait3A_302 = tpu.memref_slice %arg4[%dma_wait3A_290, %mul3A_2, %dma_wait3A_301] : memref<50x4096x128xf32, #tpu.memory_space<hbm>> -> memref<1x128x128xf32, #tpu.memory_space<hbm>>
    %dma_wait3A_303 = tpu.memref_squeeze %dma_wait3A_302 : memref<1x128x128xf32, #tpu.memory_space<hbm>> -> memref<128x128xf32, #tpu.memory_space<hbm>>
    %dma_wait3A_304 = arith.constant 0 : i32
    %dma_wait3A_305 = arith.constant 0 : i32
    %dma_wait3A_306 = tpu.memref_slice %arg6[%dma_wait3A_289, %dma_wait3A_304, %dma_wait3A_305] : memref<5x128x128xf32, #tpu.memory_space<vmem>> -> memref<1x128x128xf32, #tpu.memory_space<vmem>>
    %dma_wait3A_307 = tpu.memref_squeeze %dma_wait3A_306 : memref<1x128x128xf32, #tpu.memory_space<vmem>> -> memref<128x128xf32, #tpu.memory_space<vmem>>
    tpu.wait_dma2 semaphore(%dma_wait3A_300 : memref<!tpu.dma_semaphore, #tpu.memory_space<semaphore_mem>>) src(%dma_wait3A_307 : memref<128x128xf32, #tpu.memory_space<vmem>>) dst(%dma_wait3A_303 : memref<128x128xf32, #tpu.memory_space<hbm>>)
    %dma_wait3A_308 = arith.constant 3 : i32
    %dma_wait3A_309 = arith.constant 48 : i32
    %dma_wait3A_310 = arith.constant 3 : i32
    %dma_wait3A_311 = arith.constant 0 : i32
    %dma_wait3A_312 = arith.constant 0 : i32
    %dma_wait3A_313 = tpu.memref_slice %arg6[%dma_wait3A_308, %dma_wait3A_311, %dma_wait3A_312] : memref<5x128x128xf32, #tpu.memory_space<vmem>> -> memref<1x128x128xf32, #tpu.memory_space<vmem>>
    %dma_wait3A_314 = tpu.memref_squeeze %dma_wait3A_313 : memref<1x128x128xf32, #tpu.memory_space<vmem>> -> memref<128x128xf32, #tpu.memory_space<vmem>>
    %dma_wait3A_315 = arith.constant 0 : i32
    %dma_wait3A_316 = tpu.memref_slice %arg4[%dma_wait3A_309, %mul3A_2, %dma_wait3A_315] : memref<50x4096x128xf32, #tpu.memory_space<hbm>> -> memref<1x128x128xf32, #tpu.memory_space<hbm>>
    %dma_wait3A_317 = tpu.memref_squeeze %dma_wait3A_316 : memref<1x128x128xf32, #tpu.memory_space<hbm>> -> memref<128x128xf32, #tpu.memory_space<hbm>>
    %dma_wait3A_318 = tpu.memref_slice %arg8[%dma_wait3A_310] : memref<5x!tpu.dma_semaphore, #tpu.memory_space<semaphore_mem>> -> memref<1x!tpu.dma_semaphore, #tpu.memory_space<semaphore_mem>>
    %dma_wait3A_319 = tpu.memref_squeeze %dma_wait3A_318 : memref<1x!tpu.dma_semaphore, #tpu.memory_space<semaphore_mem>> -> memref<!tpu.dma_semaphore, #tpu.memory_space<semaphore_mem>>
    %dma_wait3A_320 = arith.constant 0 : i32
    %dma_wait3A_321 = tpu.memref_slice %arg4[%dma_wait3A_309, %mul3A_2, %dma_wait3A_320] : memref<50x4096x128xf32, #tpu.memory_space<hbm>> -> memref<1x128x128xf32, #tpu.memory_space<hbm>>
    %dma_wait3A_322 = tpu.memref_squeeze %dma_wait3A_321 : memref<1x128x128xf32, #tpu.memory_space<hbm>> -> memref<128x128xf32, #tpu.memory_space<hbm>>
    %dma_wait3A_323 = arith.constant 0 : i32
    %dma_wait3A_324 = arith.constant 0 : i32
    %dma_wait3A_325 = tpu.memref_slice %arg6[%dma_wait3A_308, %dma_wait3A_323, %dma_wait3A_324] : memref<5x128x128xf32, #tpu.memory_space<vmem>> -> memref<1x128x128xf32, #tpu.memory_space<vmem>>
    %dma_wait3A_326 = tpu.memref_squeeze %dma_wait3A_325 : memref<1x128x128xf32, #tpu.memory_space<vmem>> -> memref<128x128xf32, #tpu.memory_space<vmem>>
    tpu.wait_dma2 semaphore(%dma_wait3A_319 : memref<!tpu.dma_semaphore, #tpu.memory_space<semaphore_mem>>) src(%dma_wait3A_326 : memref<128x128xf32, #tpu.memory_space<vmem>>) dst(%dma_wait3A_322 : memref<128x128xf32, #tpu.memory_space<hbm>>)
    %dma_wait3A_327 = arith.constant 4 : i32
    %dma_wait3A_328 = arith.constant 49 : i32
    %dma_wait3A_329 = arith.constant 4 : i32
    %dma_wait3A_330 = arith.constant 0 : i32
    %dma_wait3A_331 = arith.constant 0 : i32
    %dma_wait3A_332 = tpu.memref_slice %arg6[%dma_wait3A_327, %dma_wait3A_330, %dma_wait3A_331] : memref<5x128x128xf32, #tpu.memory_space<vmem>> -> memref<1x128x128xf32, #tpu.memory_space<vmem>>
    %dma_wait3A_333 = tpu.memref_squeeze %dma_wait3A_332 : memref<1x128x128xf32, #tpu.memory_space<vmem>> -> memref<128x128xf32, #tpu.memory_space<vmem>>
    %dma_wait3A_334 = arith.constant 0 : i32
    %dma_wait3A_335 = tpu.memref_slice %arg4[%dma_wait3A_328, %mul3A_2, %dma_wait3A_334] : memref<50x4096x128xf32, #tpu.memory_space<hbm>> -> memref<1x128x128xf32, #tpu.memory_space<hbm>>
    %dma_wait3A_336 = tpu.memref_squeeze %dma_wait3A_335 : memref<1x128x128xf32, #tpu.memory_space<hbm>> -> memref<128x128xf32, #tpu.memory_space<hbm>>
    %dma_wait3A_337 = tpu.memref_slice %arg8[%dma_wait3A_329] : memref<5x!tpu.dma_semaphore, #tpu.memory_space<semaphore_mem>> -> memref<1x!tpu.dma_semaphore, #tpu.memory_space<semaphore_mem>>
    %dma_wait3A_338 = tpu.memref_squeeze %dma_wait3A_337 : memref<1x!tpu.dma_semaphore, #tpu.memory_space<semaphore_mem>> -> memref<!tpu.dma_semaphore, #tpu.memory_space<semaphore_mem>>
    %dma_wait3A_339 = arith.constant 0 : i32
    %dma_wait3A_340 = tpu.memref_slice %arg4[%dma_wait3A_328, %mul3A_2, %dma_wait3A_339] : memref<50x4096x128xf32, #tpu.memory_space<hbm>> -> memref<1x128x128xf32, #tpu.memory_space<hbm>>
    %dma_wait3A_341 = tpu.memref_squeeze %dma_wait3A_340 : memref<1x128x128xf32, #tpu.memory_space<hbm>> -> memref<128x128xf32, #tpu.memory_space<hbm>>
    %dma_wait3A_342 = arith.constant 0 : i32
    %dma_wait3A_343 = arith.constant 0 : i32
    %dma_wait3A_344 = tpu.memref_slice %arg6[%dma_wait3A_327, %dma_wait3A_342, %dma_wait3A_343] : memref<5x128x128xf32, #tpu.memory_space<vmem>> -> memref<1x128x128xf32, #tpu.memory_space<vmem>>
    %dma_wait3A_345 = tpu.memref_squeeze %dma_wait3A_344 : memref<1x128x128xf32, #tpu.memory_space<vmem>> -> memref<128x128xf32, #tpu.memory_space<vmem>>
    tpu.wait_dma2 semaphore(%dma_wait3A_338 : memref<!tpu.dma_semaphore, #tpu.memory_space<semaphore_mem>>) src(%dma_wait3A_345 : memref<128x128xf32, #tpu.memory_space<vmem>>) dst(%dma_wait3A_341 : memref<128x128xf32, #tpu.memory_space<hbm>>)
    return
  }
}

</mosaic_0001>

<sc_bundles>
// kernel: kernel.3.cloned.1.call-start
scs
__scs_entry_jumppad:
0x0: {  	(pc) =	sbr.rel $0x88, $3  }
0x1: {  	(tag) =	ssettag $0x0;
	lr =	simm.s32 $0x1  }
0x2: {  	[smem:$0x3F9F] =	sst lr;
	_ =	strace $0xD0000000  }
0x3: {  	_ = 	snop  }
0x4: {  	_ = 	snop  }
0x5: {  	_ = 	snop  }
0x6: {  	_ = 	snop  }
0x7: {  	_ = 	snop  }
__scs_overlays_trampoline_lowered:
0x8: {  	[smem:$0x3FAE] =	sst s0  }
0x9: {  	[smem:$0x3FAF] =	sst s1  }
0xa: {  	[smem:$0x3FB0] =	sst s2  }
0xb: {  	[smem:$0x3FB1] =	sst s3  }
0xc: {  	[smem:$0x3FB2] =	sst s4  }
0xd: {  	[smem:$0x3FB3] =	sst s5  }
0xe: {  	[smem:$0x3FB4] =	sst s6  }
0xf: {  	[smem:$0x3FB5] =	sst s7  }
0x10: {  	[smem:$0x3FB6] =	sst s8  }
0x11: {  	[smem:$0x3FB7] =	sst s9;
	s0 =	simm.s32 @!p0 $0x0  }
0x12: {  	s1 =	sld [smem:$0x3F9D];
	s0 =	simm.s32 @p0 $0x1  }
0x13: {  	[smem:$0x3FB8] =	sst s0;
	s0 =	simm.s32 @!p1 $0x0  }
0x14: {  	s2 =	sld [smem:$0x3F9C];
	s0 =	simm.s32 @p1 $0x1  }
0x15: {  	[smem:$0x3FB9] =	sst s0;
	s0 =	simm.s32 @!p2 $0x0  }
0x16: {  	s3 =	sld [smem:$0x3FDB];
	s0 =	simm.s32 @p2 $0x1  }
0x17: {  	s4 =	simm.s32 $0x1BF5;
	[smem:$0x3FBB] =	sst s0  }
0x18: {  	s0 =	sld [smem:$0x3F9E];
	_ =	swait.ge [sflag:s4], $0x0  }
0x19: {  	s7 =	sld [smem:$0x3F9F]  }
0x1a: {  	s8 =	sadd.s32 $0xFFFFE003, lr  }
0x1b: {  	s9 =	sadd.s32 $0xFFFFFEF7, lr;
	s5 =	simm.s32 $0xFFFFFFFF;
	p2 =	slt.u32 s8, $0xFFFFF086  }
0x1c: {  	p1 =	slt.u32 s9, $0xF7A;
	s5 =	simm.s32 @!p2 $0x0  }
0x1d: {  	s5 =	simm.s32 @p1 $0x1;
	p0 =	seq.s32 s7, s2  }
0x1e: {  	s7 =	smul.u32 @!p0 $0xF7A, s2;
	p2 =	seq.s32 @!p0 s5, $0x0  }
0x1f: {  	s9 =	smul.u32 $0xF7A, s1;
	s8 =	simm.s32 @!p0 $0x1BF5;
	p2 =	por !p2, p0  }
0x20: {  	[sflag:s8] =	ssyncset.s32 @!p0 $0xFFFFF086;
	s6 =	sadd.s32 @!p0 s3, s7;
	s7 =	simm.s32 @!p0 $0x108  }
0x21: {  	s3 =	sadd.s32 s3, s9;
	s6 =	sadd.s32 @!p0 $0x88, s6;
	s7 =	simm.s32 @p2 $0x1082  }
0x22: {  	[simem:s7], [sflag:s8] =	dma.local @!p0 [hbm:s6], $0xF7A  }
0x23: {  	s9 =	sor.u32 $0xD0000000, s2;
	s6 =	simm.s32 $0x108;
	_ =	swait.ge @!p0 [sflag:s8], $0x0  }
0x24: {  	s3 =	sadd.s32 $0x88, s3;
	s6 =	simm.s32 @!p1 $0x1082;
	[sflag:s4] =	ssyncset.s32 $0xFFFFF086  }
0x25: {  	[simem:s6], [sflag:s4] =	dma.local [hbm:s3], $0xF7A  }
0x26: {  	[smem:$0x3F9F] =	sst s1;
	(tag) =	ssettag s2;
	_ =	strace s9  }
0x27: {  	s1 =	sld [smem:$0x3FAF]  }
0x28: {  	s2 =	sld [smem:$0x3FB0]  }
0x29: {  	s4 =	sld [smem:$0x3FB2]  }
0x2a: {  	p0 =	seq.s32 s5, $0x0;
	s5 =	sld [smem:$0x3FB3]  }
0x2b: {  	s6 =	sld [smem:$0x3FB4]  }
0x2c: {  	s7 =	sld [smem:$0x3FB5]  }
0x2d: {  	s3 =	simm.s32 $0x108;
	s8 =	sld [smem:$0x3FB6]  }
0x2e: {  	s3 =	simm.s32 @!p0 $0x1082;
	s9 =	sld [smem:$0x3FB7]  }
0x2f: {  	lr =	sadd.s32 s0, s3;
	s0 =	sld [smem:$0x3FAE]  }
0x30: {  	s3 =	sld [smem:$0x3FB1]  }
0x31: {  	[smem:$0x3FBA] =	sst s10  }
0x32: {  	s10 =	sld [smem:$0x3FB8];
	_ =	sdelay $0x3  }
0x33: {  	p0 =	seq.s32 s10, $0x1;
	s10 =	sld [smem:$0x3FBA];
	_ =	sdelay $0x3  }
0x34: {  	[smem:$0x3FBA] =	sst s10  }
0x35: {  	s10 =	sld [smem:$0x3FB9];
	_ =	sdelay $0x3  }
0x36: {  	p1 =	seq.s32 s10, $0x1;
	s10 =	sld [smem:$0x3FBA];
	_ =	sdelay $0x3  }
0x37: {  	[smem:$0x3FBA] =	sst s10  }
0x38: {  	s10 =	sld [smem:$0x3FBB]  }
0x39: {  	_ = 	snop;
	(pc) =	sbr.ind lr, $3  }
0x3a: {  	_ = 	snop  }
0x3b: {  	_ = 	snop  }
0x3c: {  	p2 =	seq.s32 s10, $0x1;
	s10 =	sld [smem:$0x3FBA]  }
0x3d: {  	_ =	shalt  }
0x3e: {  	_ =	shalt  }
0x3f: {  	_ =	shalt  }
0x40: {  	_ =	shalt  }
0x41: {  	_ =	shalt  }
0x42: {  	_ =	shalt  }
0x43: {  	_ =	shalt  }
0x44: {  	_ =	shalt  }
0x45: {  	_ =	shalt  }
0x46: {  	_ =	shalt  }
0x47: {  	_ =	shalt  }
0x48: {  	_ =	shalt  }
0x49: {  	_ =	shalt  }
0x4a: {  	_ =	shalt  }
0x4b: {  	_ =	shalt  }
0x4c: {  	_ =	shalt  }
0x4d: {  	_ =	shalt  }
0x4e: {  	_ =	shalt  }
0x4f: {  	_ =	shalt  }
0x50: {  	_ =	shalt  }
0x51: {  	_ =	shalt  }
0x52: {  	_ =	shalt  }
0x53: {  	_ =	shalt  }
0x54: {  	_ =	shalt  }
0x55: {  	_ =	shalt  }
0x56: {  	_ =	shalt  }
0x57: {  	_ =	shalt  }
0x58: {  	_ =	shalt  }
0x59: {  	_ =	shalt  }
0x5a: {  	_ =	shalt  }
0x5b: {  	_ =	shalt  }
0x5c: {  	_ =	shalt  }
0x5d: {  	_ =	shalt  }
0x5e: {  	_ =	shalt  }
0x5f: {  	_ =	shalt  }
0x60: {  	_ =	shalt  }
0x61: {  	_ =	shalt  }
0x62: {  	_ =	shalt  }
0x63: {  	_ =	shalt  }
0x64: {  	_ =	shalt  }
0x65: {  	_ =	shalt  }
0x66: {  	_ =	shalt  }
0x67: {  	_ =	shalt  }
0x68: {  	_ =	shalt  }
0x69: {  	_ =	shalt  }
0x6a: {  	_ =	shalt  }
0x6b: {  	_ =	shalt  }
0x6c: {  	_ =	shalt  }
0x6d: {  	_ =	shalt  }
0x6e: {  	_ =	shalt  }
0x6f: {  	_ =	shalt  }
0x70: {  	_ =	shalt  }
0x71: {  	_ =	shalt  }
0x72: {  	_ =	shalt  }
0x73: {  	_ =	shalt  }
0x74: {  	_ =	shalt  }
0x75: {  	_ =	shalt  }
0x76: {  	_ =	shalt  }
0x77: {  	_ =	shalt  }
0x78: {  	_ =	shalt  }
0x79: {  	_ =	shalt  }
0x7a: {  	_ =	shalt  }
0x7b: {  	_ =	shalt  }
0x7c: {  	_ =	shalt  }
0x7d: {  	_ =	shalt  }
0x7e: {  	_ =	shalt  }
0x7f: {  	_ =	shalt  }
0x80: {  	_ =	shalt  }
0x81: {  	_ =	shalt  }
0x82: {  	_ =	shalt  }
0x83: {  	_ =	shalt  }
0x84: {  	_ =	shalt  }
0x85: {  	_ =	shalt  }
0x86: {  	_ =	shalt  }
0x87: {  	_ =	shalt  }
.Lfunc_end0:
.L_simem_size_0:
called_computation_lowered:
.L_overlay_start_0:
0x88: {  	s2 =	sld [smem:$0x3FD9]  }
0x89: {  	s3 =	sld [smem:$0x3FFE];
	_ =	sdelay $0x1  }
0x8a: {  	s1 =	srdreg.scid  }
0x8b: {  	s0 =	sand.u32 $0x1, s1  }
0x8c: {  	s18 =	sshll.u32 s0, $0xA;
	s2 =	sadd.s32 s3, s2  }
0x8d: {  	s2 =	sadd.s32 s2, s18  }
0x8e: {  	[smem:$0x3FC6] =	sst s2  }
0x8f: {  	_ = 	snop  }
0x90: {  	s2 =	sld [smem:$0x3FC9]  }
0x91: {  	s19 =	sld [smem:$0x3FC8]  }
0x92: {  	s4 =	sld [smem:$0x3FD0];
	(tm) =	ssettm $0x1  }
0x93: {  	s5 =	sld [smem:$0x3FFB];
	_ =	sdelay $0x3  }
0x94: {  	_ =	strace s5  }
0x95: {  	s5 =	sld [smem:$0x3FFC];
	_ =	sdelay $0x3  }
0x96: {  	_ =	strace s5  }
0x97: {  	s5 =	sld [smem:$0x3FFD];
	_ =	sdelay $0x3  }
0x98: {  	_ =	strace s5  }
0x99: {  	_ =	strace $0x8FFFFFFF  }
0x9a: {  	s20 =	sld [smem:$0x3FDB];
	_ =	sdelay $0x1  }
0x9b: {  	s6 =	simm.s32 $_scs_section_size  }
0x9c: {  	s7 =	simm.s32 $_size__tile_overlayer_lowered;
	s8 =	simm.s32 $_tile_overlayer_lowered  }
0x9d: {  	s23 =	simm.s32 $0x1BFF;
	s22 =	sshll.u32 s8, $0x1;
	s5 =	sadd.s32 s6, s20  }
0x9e: {  	s9 =	simm.s32 $0x0;
	s21 =	sshll.u32 s7, $0x1;
	s7 =	sadd.s32 s22, s5  }
0x9f: {  	[timem:s9], [sflag:s23] =	dma.local [hbm:s7], s21  }
0xa0: {  	_ =	swait.ge [sflag:s23], s21  }
0xa1: {  	s6 =	ssub.s32 $0x0, s21;
	[sflag:s23] =	ssyncset.done $0x0  }
0xa2: {  	[sflag:s23] =	ssyncadd.s32 s6;
	_ =	sdelay $0x1  }
0xa3: {  	s24 =	simm.s32 $0x1B8B  }
0xa4: {  	_ =	swait.ge [sflag:s24], $0x1  }
0xa5: {  	[sflag:s24] =	ssyncset.done $0x0  }
0xa6: {  	s25 =	simm.s32 $0x1B8E;
	[sflag:s24] =	ssyncadd.s32 $0xFFFFFFFF  }
0xa7: {  	s26 =	simm.s32 $execute0_lowered;
	[smem:$0x3FD2] =	sst s25  }
0xa8: {  	s6 =	sshll.u32 s26, $0x1;
	_ =	strace $0x80000046;
	[dreg:$0x1] =	wrdreg $0xFFFFFFFF  }
0xa9: {  	s28 =	simm.s32 $_size_execute0_lowered;
	s5 =	sadd.s32 s5, s6;
	[dreg:$0x0] =	wrdreg $0x0  }
0xaa: {  	s6 =	sshll.u32 s28, $0x1;
	[dreg:$0x2] =	wrdreg s5  }
0xab: {  	[dreg:$0x3] =	wrdreg s6  }
0xac: {  	[dreg:$0x4] =	wrdreg $0xC0  }
0xad: {  	_ =	task [dreg:s9], $0x5FFFF  }
0xae: {  	[dreg:$0x1] =	wrdreg $0xFFFFFFFF  }
0xaf: {  	[dreg:$0x0] =	wrdreg $0x60  }
0xb0: {  	[dreg:$0x2] =	wrdreg s19  }
0xb1: {  	[dreg:$0x3] =	wrdreg s2  }
0xb2: {  	[dreg:$0x4] =	wrdreg s4  }
0xb3: {  	[dreg:$0x5] =	wrdreg $0x9  }
0xb4: {  	_ =	task.clear_ibuf [dreg:s9], $0x6FFFF;
	_ =	strace $0x90000046  }
0xb5: {  	s29 =	simm.s32 $0x9;
	_ =	strace $0x80000048  }
0xb6: {  	_ =	swait.ge [sflag:s29], $0x1  }
0xb7: {  	[sflag:s29] =	ssyncadd.s32 $0xFFFFFFFF  }
0xb8: {  	_ =	strace $0x90000048  }
0xb9: {  	_ =	sfence  }
0xba: {  	s30 =	sld [smem:$0x0];
	_ =	sdelay $0x2  }
0xbb: {  	s31 =	sshll.u32 s1, $0xD;
	s1 =	sshrl.u32 s1, $0x2  }
0xbc: {  	s3 =	sand.u32 $0x4000, s31;
	s1 =	sadd.s32 s1, s30  }
0xbd: {  	s0 =	sor.u32 s3, s0;
	s1 =	sshll.u32 s1, $0x11  }
0xbe: {  	s0 =	sor.u32 s1, s0  }
0xbf: {  	s0 =	sadd.s32 $0x8F2B, s0  }
0xc0: {  	[sflag:s0] =	ssyncadd.remote.s32 $0x1  }
0xc1: {  	_ =	sfence.sel $0xFFFF  }
0xc2: {  	[dreg:$0x0] =	wrdreg $0xFFFFFFFF;
	(pc) =	sbr.abs _section_cstart, $3  }
0xc3: {  	[dreg:$0x1] =	wrdreg $0xFFFFFFFF  }
0xc4: {  	_ =	task.clear_ibuf [dreg:s9], $0x2FFFF;
	_ =	strace $0x9FFFFFFF  }
0xc5: {  	(tm) =	ssettm $0x7FFFFFFF  }
tec
execute0_lowered:
.L_overlay_start_1:
0x0: {  	(tag) =	ssettag $0x1  }
0x1: {  	s1 =	rddreg [dreg:$0x0]  }
0x2: {  	s0 =	rddreg [dreg:$0x1]  }
0x3: {  	s3 =	rddreg [dreg:$0x2];
	s2 =	srdreg.scid;
	s4 =	simm.s32 $0x0  }
0x4: {  	s9 =	stileid.u32;
	s29 =	simm.s32 $0xDC00;
	s30 =	simm.s32 $0x1  }
0x5: {  	s28 =	simm.s32 $0x8;
	s31 =	simm.s32 $0x5;
	s2 =	sand.u32 $0x1, s2  }
0x6: {  	s6 =	sshll.u32 s9, $0x8;
	[smem:$0x7FF] =	sst s4;
	s14 =	sshll.u32 s9, $0xF  }
0x7: {  	s9 =	simm.s32 $0x0;
	s5 =	ssub.s32 $0x2, s2;
	s7 =	sshll.u32 s2, $0x7  }
0x8: {  	_ =	strace $0x80000047;
	s2 =	sshll.u32 s2, $0xE;
	s8 =	sshrl.u32 s5, $0x1  }
0x9: {  	s6 =	sor.u32 s7, s6;
	s16 =	sor.u32 s2, s14;
	s5 =	ssub.s32 s5, s8  }
0xa: {  	s7 =	sadd.s32 s0, s6;
	s13 =	sshll.u32 s6, $0x4;
	s19 =	sor.u32 $0x200000, s16  }
0xb: {  	s22 =	sor.u32 $0x180000, s16;
	s23 =	sor.u32 $0x100000, s16;
	s24 =	sor.u32 $0x300000, s16  }
0xc: {  	s16 =	sor.u32 $0x280000, s16;
	s0 =	simm.s32 $0x11C00;
	s6 =	simm.s32 $0x9  }
0xd: {  	s8 =	simm.s32 $0xA;
	[dreg:$0x4] =	wrdreg s7;
	s7 =	sadd.s32 $0x6000, s7  }
0xe: {  	s15 =	sadd.s32 s3, s13;
	s2 =	sshrl.u32 s19, $0x3;
	[dreg:$0x5] =	wrdreg s7  }
0xf: {  	s5 =	smax.u32 s5, $0x1;
	s25 =	sshrl.u32 s23, $0x3;
	[dreg:$0x6] =	wrdreg s15  }
0x10: {  	s26 =	sshrl.u32 s24, $0x3;
	s17 =	sadd.s32 $0x10000, s15;
	[dreg:$0xb] =	wrdreg s5  }
0x11: {  	s23 =	simm.s32 $0x1C00;
	s18 =	sadd.s32 $0x2F0000, s15;
	[dreg:$0x7] =	wrdreg s17  }
0x12: {  	s24 =	simm.s32 $0x5C00;
	s20 =	sadd.s32 $0x300000, s15;
	[dreg:$0x8] =	wrdreg s18  }
0x13: {  	s19 =	simm.s32 $0x3;
	s21 =	sadd.s32 $0x310000, s15;
	[dreg:$0x9] =	wrdreg s20  }
0x14: {  	s2 =	sadd.s32 s2, s3;
	s13 =	sadd.s32 s26, s3;
	[dreg:$0xa] =	wrdreg s21  }
0x15: {  	s26 =	simm.s32 $0x9C00;
	[dreg:$0xc] =	wrdreg s2;
	s2 =	sshrl.u32 s22, $0x3  }
0x16: {  	s22 =	simm.s32 $0x80;
	s18 =	simm.s32 $0x6;
	s2 =	sadd.s32 s2, s3  }
0x17: {  	s20 =	simm.s32 $0x7;
	[dreg:$0xd] =	wrdreg s2;
	s2 =	sadd.s32 s25, s3  }
0x18: {  	s25 =	simm.s32 $0x4;
	[dreg:$0xe] =	wrdreg s2;
	s2 =	simm.s32 $0x2  }
.LBB2_1:
0x19: {  	s5 =	rddreg [dreg:$0x4];
	s7 =	simm.s32 $0x400;
	s10 =	simm.s32 $0x8000  }
0x1a: {  	[tilespmem:s4], [sflag:$0xB] =	stream.strided.gather [hbm4b:s5+s7], $0x1800, s10, s7, $0x38;
	[tilespmem:$0x15C00] =	vst v63  }
0x1b: {  	s11 =	simm.s32 $0xB;
	s7 =	rddreg [dreg:$0x5];
	s10 =	simm.s32 $0x1800  }
0x1c: {  	[tilespmem:s10], [sflag:$0xB] =	stream.linear.gather [hbm4b:s7+s4], $0x100, $0x38;
	[tilespmem:$0x15C00] =	vst v63  }
0x1d: {  	_ =	swait.ge [sflag:s11], $0x1900  }
0x1e: {  	[sflag:s11] =	ssyncset.done $0x0  }
0x1f: {  	[sflag:s11] =	ssyncadd.s32 $0xFFFFE700  }
0x20: {  	[tilespmem:s23], [sflag:$0x1] =	stream.indirect.gather [hbm4b:s1+s22], $0x80, s4, s22, $0xb8;
	[tilespmem:$0x15C00] =	vst v63  }
0x21: {  	_ = 	snop  }
0x22: {  	[tilespmem:s24], [sflag:$0x2] =	stream.indirect.gather [hbm4b:s1+s22], $0x80, s22, s22, $0xb8;
	[tilespmem:$0x15C00] =	vst v63  }
0x23: {  	s12 =	simm.s32 $0x100  }
0x24: {  	[tilespmem:s26], [sflag:$0x3] =	stream.indirect.gather [hbm4b:s1+s22], $0x80, s12, s22, $0xb8;
	[tilespmem:$0x15C00] =	vst v63  }
0x25: {  	s14 =	simm.s32 $0x180  }
0x26: {  	[tilespmem:s29], [sflag:$0x4] =	stream.indirect.gather [hbm4b:s1+s22], $0x80, s14, s22, $0xb8;
	[tilespmem:$0x15C00] =	vst v63  }
0x27: {  	_ =	swait.ge [sflag:s30], $0x4000  }
0x28: {  	[sflag:s30] =	ssyncset.done $0x0  }
0x29: {  	s15 =	rddreg [dreg:$0x6];
	[sflag:s30] =	ssyncadd.s32 $0xFFFFC000  }
0x2a: {  	[hbm4b:s15+s4] =	stream.linear.scatter [tilespmem:s23], [sflag:$0x6], $0x4000, $0x38;
	[tilespmem:$0x15C00] =	vst v63  }
0x2b: {  	s17 =	simm.s32 $0x200  }
0x2c: {  	[tilespmem:s0], [sflag:$0x5] =	stream.indirect.gather [hbm4b:s1+s22], $0x80, s17, s22, $0xb8;
	[tilespmem:$0x15C00] =	vst v63  }
0x2d: {  	_ =	swait.ge [sflag:s2], $0x4000  }
0x2e: {  	[sflag:s2] =	ssyncset.done $0x0  }
0x2f: {  	s21 =	rddreg [dreg:$0x7];
	[sflag:s2] =	ssyncadd.s32 $0xFFFFC000  }
0x30: {  	[hbm4b:s21+s4] =	stream.linear.scatter [tilespmem:s24], [sflag:$0x7], $0x4000, $0x38;
	[tilespmem:$0x15C00] =	vst v63  }
0x31: {  	_ =	swait.ge [sflag:s18], $0x4000  }
0x32: {  	[sflag:s18] =	ssyncset.done $0x0  }
0x33: {  	s7 =	simm.s32 $0x280;
	[sflag:s18] =	ssyncadd.s32 $0xFFFFC000  }
0x34: {  	[tilespmem:s23], [sflag:$0x1] =	stream.indirect.gather [hbm4b:s1+s22], $0x80, s7, s22, $0xb8;
	[tilespmem:$0x15C00] =	vst v63  }
0x35: {  	_ =	swait.ge [sflag:s19], $0x4000  }
0x36: {  	[sflag:s19] =	ssyncset.done $0x0  }
0x37: {  	s11 =	rddreg [dreg:$0xe];
	[sflag:s19] =	ssyncadd.s32 $0xFFFFC000  }
0x38: {  	[hbm4b:s11+s4] =	stream.linear.scatter [tilespmem:s26], [sflag:$0x8], $0x4000, $0x38;
	[tilespmem:$0x15C00] =	vst v63  }
0x39: {  	_ =	swait.ge [sflag:s20], $0x4000  }
0x3a: {  	[sflag:s20] =	ssyncset.done $0x0  }
0x3b: {  	s10 =	simm.s32 $0x300;
	[sflag:s20] =	ssyncadd.s32 $0xFFFFC000  }
0x3c: {  	[tilespmem:s24], [sflag:$0x2] =	stream.indirect.gather [hbm4b:s1+s22], $0x80, s10, s22, $0xb8;
	[tilespmem:$0x15C00] =	vst v63  }
0x3d: {  	_ =	swait.ge [sflag:s25], $0x4000  }
0x3e: {  	[sflag:s25] =	ssyncset.done $0x0  }
0x3f: {  	s14 =	rddreg [dreg:$0xd];
	[sflag:s25] =	ssyncadd.s32 $0xFFFFC000  }
0x40: {  	[hbm4b:s14+s4] =	stream.linear.scatter [tilespmem:s29], [sflag:$0x9], $0x4000, $0x38;
	[tilespmem:$0x15C00] =	vst v63  }
0x41: {  	_ =	swait.ge [sflag:s28], $0x4000  }
0x42: {  	[sflag:s28] =	ssyncset.done $0x0  }
0x43: {  	s12 =	simm.s32 $0x380;
	[sflag:s28] =	ssyncadd.s32 $0xFFFFC000  }
0x44: {  	[tilespmem:s26], [sflag:$0x3] =	stream.indirect.gather [hbm4b:s1+s22], $0x80, s12, s22, $0xb8;
	[tilespmem:$0x15C00] =	vst v63  }
0x45: {  	_ =	swait.ge [sflag:s31], $0x4000  }
0x46: {  	[sflag:s31] =	ssyncset.done $0x0  }
0x47: {  	s7 =	rddreg [dreg:$0xc];
	[sflag:s31] =	ssyncadd.s32 $0xFFFFC000  }
0x48: {  	[hbm4b:s7+s4] =	stream.linear.scatter [tilespmem:s0], [sflag:$0xA], $0x4000, $0x38;
	[tilespmem:$0x15C00] =	vst v63  }
0x49: {  	_ =	swait.ge [sflag:s6], $0x4000  }
0x4a: {  	[sflag:s6] =	ssyncset.done $0x0  }
0x4b: {  	s15 =	simm.s32 $0x400;
	[sflag:s6] =	ssyncadd.s32 $0xFFFFC000  }
0x4c: {  	[tilespmem:s29], [sflag:$0x4] =	stream.indirect.gather [hbm4b:s1+s22], $0x80, s15, s22, $0xb8;
	[tilespmem:$0x15C00] =	vst v63  }
0x4d: {  	_ =	swait.ge [sflag:s30], $0x4000  }
0x4e: {  	s17 =	sshrl.u32 s16, $0x3;
	[sflag:s30] =	ssyncset.done $0x0  }
0x4f: {  	s5 =	sadd.s32 s3, s17;
	[sflag:s30] =	ssyncadd.s32 $0xFFFFC000  }
0x50: {  	[hbm4b:s5+s4] =	stream.linear.scatter [tilespmem:s23], [sflag:$0x6], $0x4000, $0x38;
	[tilespmem:$0x15C00] =	vst v63  }
0x51: {  	_ =	swait.ge [sflag:s8], $0x4000  }
0x52: {  	[sflag:s8] =	ssyncset.done $0x0  }
0x53: {  	s17 =	smov.u32 s13;
	s21 =	simm.s32 $0x480;
	[sflag:s8] =	ssyncadd.s32 $0xFFFFC000  }
0x54: {  	[tilespmem:s0], [sflag:$0x5] =	stream.indirect.gather [hbm4b:s1+s22], $0x80, s21, s22, $0xb8;
	[tilespmem:$0x15C00] =	vst v63  }
0x55: {  	s11 =	sadd.s32 $0x50000, s11;
	s10 =	sadd.s32 $0x50000, s13;
	_ =	swait.ge [sflag:s2], $0x4000  }
0x56: {  	s12 =	sadd.s32 $0x280000, s16;
	s7 =	sadd.s32 $0x50000, s7;
	[sflag:s2] =	ssyncset.done $0x0  }
0x57: {  	s5 =	simm.s32 $0xA00;
	s21 =	sadd.s32 $0x50000, s14;
	[sflag:s2] =	ssyncadd.s32 $0xFFFFC000  }
.LBB2_2:
0x58: {  	[hbm4b:s17+s4] =	stream.linear.scatter [tilespmem:s24], [sflag:$0x7], $0x4000, $0x38;
	[tilespmem:$0x15C00] =	vst v63  }
0x59: {  	s14 =	smov.u32 s5;
	s17 =	smov.u32 s10  }
0x5a: {  	p0 =	sne.s32 s5, $0x5000;
	s5 =	sadd.s32 $0xA00, s5;
	_ =	swait.ge [sflag:s18], $0x4000  }
0x5b: {  	s14 =	sshra.s32 s14, $0x2;
	[sflag:s18] =	ssyncset.done $0x0  }
0x5c: {  	s15 =	sadd.s32 $0x280, s14;
	[sflag:s18] =	ssyncadd.s32 $0xFFFFC000  }
0x5d: {  	[tilespmem:s23], [sflag:$0x1] =	stream.indirect.gather [hbm4b:s1+s22], $0x80, s15, s22, $0xb8;
	[tilespmem:$0x15C00] =	vst v63  }
0x5e: {  	_ =	swait.ge [sflag:s19], $0x4000  }
0x5f: {  	[sflag:s19] =	ssyncset.done $0x0  }
0x60: {  	[sflag:s19] =	ssyncadd.s32 $0xFFFFC000  }
0x61: {  	[hbm4b:s11+s4] =	stream.linear.scatter [tilespmem:s26], [sflag:$0x8], $0x4000, $0x38;
	[tilespmem:$0x15C00] =	vst v63  }
0x62: {  	_ =	swait.ge [sflag:s20], $0x4000  }
0x63: {  	[sflag:s20] =	ssyncset.done $0x0  }
0x64: {  	s15 =	sadd.s32 $0x300, s14;
	[sflag:s20] =	ssyncadd.s32 $0xFFFFC000  }
0x65: {  	[tilespmem:s24], [sflag:$0x2] =	stream.indirect.gather [hbm4b:s1+s22], $0x80, s15, s22, $0xb8;
	[tilespmem:$0x15C00] =	vst v63  }
0x66: {  	_ =	swait.ge [sflag:s25], $0x4000  }
0x67: {  	[sflag:s25] =	ssyncset.done $0x0  }
0x68: {  	[sflag:s25] =	ssyncadd.s32 $0xFFFFC000  }
0x69: {  	[hbm4b:s21+s4] =	stream.linear.scatter [tilespmem:s29], [sflag:$0x9], $0x4000, $0x38;
	[tilespmem:$0x15C00] =	vst v63  }
0x6a: {  	_ =	swait.ge [sflag:s28], $0x4000  }
0x6b: {  	[sflag:s28] =	ssyncset.done $0x0  }
0x6c: {  	s15 =	sadd.s32 $0x380, s14;
	[sflag:s28] =	ssyncadd.s32 $0xFFFFC000  }
0x6d: {  	[tilespmem:s26], [sflag:$0x3] =	stream.indirect.gather [hbm4b:s1+s22], $0x80, s15, s22, $0xb8;
	[tilespmem:$0x15C00] =	vst v63  }
0x6e: {  	_ =	swait.ge [sflag:s31], $0x4000  }
0x6f: {  	[sflag:s31] =	ssyncset.done $0x0  }
0x70: {  	[sflag:s31] =	ssyncadd.s32 $0xFFFFC000  }
0x71: {  	[hbm4b:s7+s4] =	stream.linear.scatter [tilespmem:s0], [sflag:$0xA], $0x4000, $0x38;
	[tilespmem:$0x15C00] =	vst v63  }
0x72: {  	_ =	swait.ge [sflag:s6], $0x4000  }
0x73: {  	[sflag:s6] =	ssyncset.done $0x0  }
0x74: {  	s15 =	sadd.s32 $0x400, s14;
	[sflag:s6] =	ssyncadd.s32 $0xFFFFC000  }
0x75: {  	[tilespmem:s29], [sflag:$0x4] =	stream.indirect.gather [hbm4b:s1+s22], $0x80, s15, s22, $0xb8;
	[tilespmem:$0x15C00] =	vst v63  }
0x76: {  	_ =	swait.ge [sflag:s30], $0x4000  }
0x77: {  	s15 =	sshrl.u32 s12, $0x3;
	[sflag:s30] =	ssyncset.done $0x0  }
0x78: {  	s15 =	sadd.s32 s3, s15;
	[sflag:s30] =	ssyncadd.s32 $0xFFFFC000  }
0x79: {  	[hbm4b:s15+s4] =	stream.linear.scatter [tilespmem:s23], [sflag:$0x6], $0x4000, $0x38;
	[tilespmem:$0x15C00] =	vst v63  }
0x7a: {  	_ =	swait.ge [sflag:s8], $0x4000  }
0x7b: {  	[sflag:s8] =	ssyncset.done $0x0  }
.Ltmp0:
0x7c: {  	s14 =	sadd.s32 $0x480, s14;
	[sflag:s8] =	ssyncadd.s32 $0xFFFFC000;
	(pc) =	sbr.rel @p0 .LBB2_2-.Ltmp0, $4  }
0x7d: {  	[tilespmem:s0], [sflag:$0x5] =	stream.indirect.gather [hbm4b:s1+s22], $0x80, s14, s22, $0xb8;
	[tilespmem:$0x15C00] =	vst v63  }
0x7e: {  	s10 =	sadd.s32 $0x50000, s10;
	_ =	swait.ge [sflag:s2], $0x4000  }
0x7f: {  	s11 =	sadd.s32 $0x50000, s11;
	s12 =	sadd.s32 $0x280000, s12;
	[sflag:s2] =	ssyncset.done $0x0  }
0x80: {  	s21 =	sadd.s32 $0x50000, s21;
	s7 =	sadd.s32 $0x50000, s7;
	[sflag:s2] =	ssyncadd.s32 $0xFFFFC000  }
0x81: {  	[hbm4b:s17+s4] =	stream.linear.scatter [tilespmem:s24], [sflag:$0x7], $0x4000, $0x38;
	[tilespmem:$0x15C00] =	vst v63  }
0x82: {  	_ =	swait.ge [sflag:s19], $0x4000  }
0x83: {  	[sflag:s19] =	ssyncset.done $0x0  }
0x84: {  	s5 =	rddreg [dreg:$0x8];
	[sflag:s19] =	ssyncadd.s32 $0xFFFFC000  }
0x85: {  	[hbm4b:s5+s4] =	stream.linear.scatter [tilespmem:s26], [sflag:$0x8], $0x4000, $0x38;
	[tilespmem:$0x15C00] =	vst v63  }
0x86: {  	_ =	swait.ge [sflag:s25], $0x4000  }
0x87: {  	[sflag:s25] =	ssyncset.done $0x0  }
0x88: {  	s15 =	rddreg [dreg:$0x9];
	[sflag:s25] =	ssyncadd.s32 $0xFFFFC000  }
0x89: {  	[hbm4b:s15+s4] =	stream.linear.scatter [tilespmem:s29], [sflag:$0x9], $0x4000, $0x38;
	[tilespmem:$0x15C00] =	vst v63  }
0x8a: {  	_ =	swait.ge [sflag:s31], $0x4000  }
0x8b: {  	[sflag:s31] =	ssyncset.done $0x0  }
0x8c: {  	s17 =	rddreg [dreg:$0xa];
	[sflag:s31] =	ssyncadd.s32 $0xFFFFC000  }
0x8d: {  	[hbm4b:s17+s4] =	stream.linear.scatter [tilespmem:s0], [sflag:$0xA], $0x4000, $0x38;
	[tilespmem:$0x15C00] =	vst v63  }
0x8e: {  	_ =	swait.ge [sflag:s18], $0x4000  }
0x8f: {  	[sflag:s18] =	ssyncset.done $0x0  }
0x90: {  	[sflag:s18] =	ssyncadd.s32 $0xFFFFC000  }
0x91: {  	_ =	swait.ge [sflag:s20], $0x4000  }
0x92: {  	[sflag:s20] =	ssyncset.done $0x0  }
0x93: {  	[sflag:s20] =	ssyncadd.s32 $0xFFFFC000  }
0x94: {  	_ =	swait.ge [sflag:s28], $0x4000  }
0x95: {  	[sflag:s28] =	ssyncset.done $0x0  }
0x96: {  	[sflag:s28] =	ssyncadd.s32 $0xFFFFC000  }
0x97: {  	_ =	swait.ge [sflag:s6], $0x4000  }
0x98: {  	[sflag:s6] =	ssyncset.done $0x0  }
0x99: {  	[sflag:s6] =	ssyncadd.s32 $0xFFFFC000  }
0x9a: {  	_ =	swait.ge [sflag:s8], $0x4000  }
0x9b: {  	s9 =	sadd.s32 $0x1, s9;
	s21 =	rddreg [dreg:$0xb]  }
0x9c: {  	p0 =	sne.s32 s9, s21  }
.Ltmp1:
0x9d: {  	_ = 	snop;
	(pc) =	sbr.rel @p0 .LBB2_1-.Ltmp1, $3  }
0x9e: {  	_ =	sdelay $0x1  }
0x9f: {  	[sflag:s8] =	ssyncset.done $0x0  }
0xa0: {  	[sflag:s8] =	ssyncadd.s32 $0xFFFFC000  }
0xa1: {  	_ =	sfence.sel $0x180000  }
0xa2: {  	[bflag:$0x0] =	sbarrier.arrive $0xFFFF  }
0xa3: {  	_ =	strace $0x90000047  }
0xa4: {  	s0 =	stileid.u32;
	[bflag:$0x2] =	sbarrier.arrive $0xFFFF  }
0xa5: {  	p0 =	sne.s32 s0, $0x0;
	s0 =	rddreg [dreg:$0x3]  }
0xa6: {  	s0 =	sadd.s32 @!p0 $0x100000, s0  }
0xa7: {  	[sflag:s0] =	ssyncadd.tile.s32 @!p0 $0x1;
	_ =	shalt  }
.Lfunc_end2:
_tile_overlayer_lowered:
.L_overlay_start_2:
0xa8: {  	(tag) =	ssettag $0x2  }
0xa9: {  	s0 =	rddreg [dreg:$0x0];
	s2 =	stileid.u32  }
0xaa: {  	s1 =	rddreg [dreg:$0x1];
	p0 =	sne.s32 s2, $0x0  }
0xab: {  	s3 =	rddreg [dreg:$0x2];
	[bflag:$0x3] =	sbarrier.arrive $0xFFFF;
	s2 =	simm.s32 @!p0 $0x1C0B  }
0xac: {  	[timem:s3], [sflag:s2] =	dma.local @!p0 [hbm:s0], s1  }
0xad: {  	s0 =	simm.s32 @!p0 $0xB  }
0xae: {  	_ =	swait.ge @!p0 [sflag:s0], s1  }
0xaf: {  	s1 =	ssub.s32 @!p0 $0x0, s1;
	[sflag:s0] =	ssyncset.done @!p0 $0x0  }
0xb0: {  	[sflag:s0] =	ssyncadd.s32 @!p0 s1  }
0xb1: {  	[bflag:$0x3] =	sbarrier.arrive $0xFFFF  }
0xb2: {  	_ =	shalt  }

</sc_bundles>
